<compile_context>
chip_gen: v7x
topology: tpu7x:2x2x1
jax: 0.10.2.dev20260603
libtpu: 0.0.44.dev20260713+nightly
codegen_flags: <defaults>
</compile_context>

<pallas_src>
import functools

import jax
import jax.numpy as jnp
from jax import lax
from jax.experimental import pallas as pl
from jax.experimental.pallas import tpu as pltpu
from jax.experimental.pallas import tpu_sc as plsc

_NC = 2
_NS = 16
_CH = 96
_NBUF = 3


def _sc_scatter_partials(n_edges, n_atoms, d):
    nw = _NC * _NS
    e_per_w = n_edges // nw
    assert e_per_w * nw == n_edges
    n_chunks = e_per_w // _CH
    e_main = n_chunks * _CH
    tail_e = e_per_w - e_main
    main_total = e_main * nw
    assert tail_e % 8 == 0
    rows_per_tile = (n_atoms // _NS) // 8 * 8
    tail_rows = n_atoms - rows_per_tile * _NS
    tail_off = rows_per_tile * _NS
    assert tail_rows % 8 == 0

    mesh = plsc.VectorSubcoreMesh(core_axis_name="c", subcore_axis_name="s")

    @functools.partial(
        pl.kernel,
        out_type=jax.ShapeDtypeStruct((_NC * n_atoms, d), jnp.float32),
        mesh=mesh,
        scratch_types=[
            pltpu.VMEM((n_chunks, _CH), jnp.int32),
            pltpu.VMEM((_NBUF, _CH, d), jnp.float32),
            pltpu.VMEM((tail_e if tail_e else 8,), jnp.int32),
            pltpu.VMEM_SHARED((n_atoms, d), jnp.float32),
            pltpu.SemaphoreType.DMA,
            pltpu.SemaphoreType.DMA,
            [pltpu.SemaphoreType.DMA] * _NBUF,
        ],
    )
    def sc_scatter(ix_hbm, pairm_hbm, pairt_hbm, part_hbm,
                   idx_all, rows_ring, idx_tail, acc,
                   isem, tsem, rsems):
        c = lax.axis_index("c")
        s = lax.axis_index("s")
        t = c * _NS + s

        base = t * e_main

        def fill(gi, b):
            pltpu.async_copy(
                ix_hbm.at[pl.ds(base + gi * _CH, _CH)], rows_ring.at[b],
                rsems[b])

        pltpu.async_copy(pairm_hbm.at[t], idx_all, isem)
        if tail_e:
            tail_idx_cp = pltpu.async_copy(pairt_hbm.at[t], idx_tail, tsem)
        for j in range(1, _NBUF):
            fill(j, j)
        zbuf = rows_ring.at[0]
        zv = jnp.zeros((16,), jnp.float32)

        def zrow(i, carry):
            for q in range(d // 16):
                zbuf[i, pl.ds(q * 16, 16)] = zv
            return carry

        lax.fori_loop(0, _CH, zrow, 0)
        r0 = s * rows_per_tile
        zfull, zrem = divmod(rows_per_tile, _CH)
        for k in range(zfull):
            pltpu.sync_copy(zbuf, acc.at[pl.ds(r0 + k * _CH, _CH)])
        if zrem:
            pltpu.sync_copy(zbuf.at[pl.ds(0, zrem)],
                            acc.at[pl.ds(r0 + zfull * _CH, zrem)])
        if tail_rows:
            @pl.when(s == 0)
            def _zero_tail():
                pltpu.sync_copy(zbuf.at[pl.ds(0, tail_rows)],
                                acc.at[pl.ds(tail_off, tail_rows)])
        if tail_e:
            tail_rows_cp = pltpu.async_copy(
                ix_hbm.at[pl.ds(main_total + t * tail_e, tail_e)],
                rows_ring.at[0, pl.ds(0, tail_e)], tsem)
        plsc.subcore_barrier()

        if tail_e:
            tail_idx_cp.wait()
            tail_rows_cp.wait()
            pltpu.sync_copy(rows_ring.at[0, pl.ds(0, tail_e)],
                            acc.at[idx_tail], add=True)

        pltpu.make_async_copy(pairm_hbm.at[t], idx_all, isem).wait()
        fill(0, 0)

        def step(gi, j):
            pltpu.make_async_copy(
                ix_hbm.at[pl.ds(base + gi * _CH, _CH)], rows_ring.at[j],
                rsems[j]).wait()
            pltpu.sync_copy(rows_ring.at[j], acc.at[idx_all.at[gi]],
                            add=True)

        def body(g, carry):
            for j in range(_NBUF):
                gi = g * _NBUF + j
                step(gi, j)

                @pl.when(gi + _NBUF < n_chunks)
                def _refill():
                    fill(gi + _NBUF, j)
            return carry

        ncyc = n_chunks // _NBUF
        lax.fori_loop(0, ncyc, body, 0)
        for k in range(n_chunks - ncyc * _NBUF):
            gi = ncyc * _NBUF + k
            step(gi, gi % _NBUF)
        plsc.subcore_barrier()

        pltpu.sync_copy(
            acc.at[pl.ds(r0, rows_per_tile)],
            part_hbm.at[pl.ds(c * n_atoms + r0, rows_per_tile)],
        )
        if tail_rows:
            @pl.when(s == 0)
            def _write_tail():
                pltpu.sync_copy(
                    acc.at[pl.ds(tail_off, tail_rows)],
                    part_hbm.at[pl.ds(c * n_atoms + tail_off, tail_rows)],
                )

    return sc_scatter


def _tc_add(parts, n_atoms):
    d = parts.shape[1]
    bs = 1000
    assert n_atoms % bs == 0
    nblk = n_atoms // bs

    def body(a_ref, b_ref, o_ref):
        o_ref[...] = a_ref[...] + b_ref[...]

    return pl.pallas_call(
        body,
        grid=(nblk,),
        in_specs=[
            pl.BlockSpec((bs, d), lambda i: (i, 0)),
            pl.BlockSpec((bs, d), lambda i: (i + nblk, 0)),
        ],
        out_specs=pl.BlockSpec((bs, d), lambda i: (i, 0)),
        out_shape=jax.ShapeDtypeStruct((n_atoms, d), jnp.float32),
    )(parts, parts)


def kernel(ix, pair_i, px):
    n_edges, d = ix.shape
    n_atoms = px.shape[0]
    nw = _NC * _NS
    e_per_w = n_edges // nw
    n_chunks = e_per_w // _CH
    main_total = n_chunks * _CH * nw
    pair32 = pair_i.astype(jnp.int32)
    pair_main = pair32[:main_total].reshape(nw, n_chunks, _CH)
    tail_e = (n_edges - main_total) // nw
    pair_tail = (pair32[main_total:].reshape(nw, tail_e) if tail_e
                 else jnp.zeros((nw, 8), jnp.int32))
    parts = _sc_scatter_partials(n_edges, n_atoms, d)(
        ix, pair_main, pair_tail)
    return _tc_add(parts, n_atoms)

# --- scband reference (transcript-rebuilt; emitter-appended) ---
"""Pipeline reference for scband-iplayer-86122684219993 (READ-ONLY COPY).

The authoritative reference and input builder live on the scoring server;
editing this copy changes nothing except your own understanding.
"""

import jax, jax.numpy as jnp
import numpy as np


def setup_inputs(seed: int = 0) -> dict:
    key = jax.random.key(seed)
    k1, k2, k3 = jax.random.split(key, 3)
    n_atoms = 10000
    n_edges = 320000
    d = 128
    ix = jax.random.normal(k1, (n_edges, d), dtype=jnp.float32)
    pair_i = jnp.sort(jax.random.randint(k2, (n_edges,), 0, n_atoms, dtype=jnp.int64))
    px = jax.random.normal(k3, (n_atoms, d), dtype=jnp.float32)
    return {"ix": ix, "pair_i": pair_i, "px": px}


def reference(ix, pair_i, px):
    n_atoms = px.shape[0]
    out = jnp.zeros((n_atoms,) + ix.shape[1:], dtype=px.dtype)
    out = out.at[pair_i].add(ix)
    return out

if __name__ == "__main__":
    import jax
    _d = setup_inputs()
    print(jax.jit(kernel)(*tuple(_d.values())))

</pallas_src>

<mosaic_0001>
#map = affine_map<(d0, d1) -> (0, 0)>
#map1 = affine_map<(d0, d1) -> (0, 0, 0)>
module attributes {stable_mosaic.version = 14 : i64} {
  func.func @sc_scatter(%arg0: i32, %arg1: i32, %arg2: memref<320000x128xf32, #tpu.memory_space<hbm>>, %arg3: memref<32x104x96xi32, #tpu.memory_space<hbm>>, %arg4: memref<32x16xi32, #tpu.memory_space<hbm>>, %arg5: memref<20000x128xf32, #tpu.memory_space<hbm>>, %arg6: memref<104x96xi32, #tpu.memory_space<vmem>>, %arg7: memref<3x96x128xf32, #tpu.memory_space<vmem>>, %arg8: memref<16xi32, #tpu.memory_space<vmem>>, %arg9: memref<10000x128xf32, #tpu.memory_space<vmem_shared>>, %arg10: memref<!tpu.dma_semaphore, #tpu.memory_space<semaphore_mem>>, %arg11: memref<!tpu.dma_semaphore, #tpu.memory_space<semaphore_mem>>, %arg12: memref<!tpu.dma_semaphore, #tpu.memory_space<semaphore_mem>>, %arg13: memref<!tpu.dma_semaphore, #tpu.memory_space<semaphore_mem>>, %arg14: memref<!tpu.dma_semaphore, #tpu.memory_space<semaphore_mem>>) attributes {dimension_semantics = [#tpu.dimension_semantics<core_parallel>, #tpu.dimension_semantics<subcore_parallel>], iteration_bounds = array<i64: 2, 16>, scalar_prefetch = 0 : i64, scratch_operands = 9 : i64, tpu.core_type = #tpu.core_type<sc_vector_subcore>, window_params = [{transform_indices = #map}, {transform_indices = #map1}, {transform_indices = #map}, {transform_indices = #map}]} {
    %mul3A = arith.constant 16 : i32
    %mul3A_0 = arith.muli %arg0, %mul3A : i32
    %add3A = arith.addi %mul3A_0, %arg1 : i32
    %mul3A_1 = arith.constant 9984 : i32
    %mul3A_2 = arith.muli %add3A, %mul3A_1 : i32
    %dma_start3A = arith.constant 0 : i32
    %dma_start3A_3 = arith.constant 0 : i32
    %dma_start3A_4 = tpu.memref_slice %arg3[%add3A, %dma_start3A, %dma_start3A_3] : memref<32x104x96xi32, #tpu.memory_space<hbm>> -> memref<1x104x96xi32, #tpu.memory_space<hbm>>
    %dma_start3A_5 = tpu.memref_squeeze %dma_start3A_4 : memref<1x104x96xi32, #tpu.memory_space<hbm>> -> memref<104x96xi32, #tpu.memory_space<hbm>>
    %dma_start3A_6 = arith.constant 0 : i32
    %dma_start3A_7 = arith.constant 0 : i32
    %dma_start3A_8 = tpu.memref_slice %arg3[%add3A, %dma_start3A_6, %dma_start3A_7] : memref<32x104x96xi32, #tpu.memory_space<hbm>> -> memref<1x104x96xi32, #tpu.memory_space<hbm>>
    %dma_start3A_9 = tpu.memref_squeeze %dma_start3A_8 : memref<1x104x96xi32, #tpu.memory_space<hbm>> -> memref<104x96xi32, #tpu.memory_space<hbm>>
    tpu.enqueue_dma source(%dma_start3A_9 : memref<104x96xi32, #tpu.memory_space<hbm>>) target(%arg6 : memref<104x96xi32, #tpu.memory_space<vmem>>) target_semaphore(%arg10 : memref<!tpu.dma_semaphore, #tpu.memory_space<semaphore_mem>>)
    %dma_start3A_10 = arith.constant 0 : i32
    %dma_start3A_11 = tpu.memref_slice %arg4[%add3A, %dma_start3A_10] : memref<32x16xi32, #tpu.memory_space<hbm>> -> memref<1x16xi32, #tpu.memory_space<hbm>>
    %dma_start3A_12 = tpu.memref_squeeze %dma_start3A_11 : memref<1x16xi32, #tpu.memory_space<hbm>> -> memref<16xi32, #tpu.memory_space<hbm>>
    %dma_start3A_13 = arith.constant 0 : i32
    %dma_start3A_14 = tpu.memref_slice %arg4[%add3A, %dma_start3A_13] : memref<32x16xi32, #tpu.memory_space<hbm>> -> memref<1x16xi32, #tpu.memory_space<hbm>>
    %dma_start3A_15 = tpu.memref_squeeze %dma_start3A_14 : memref<1x16xi32, #tpu.memory_space<hbm>> -> memref<16xi32, #tpu.memory_space<hbm>>
    tpu.enqueue_dma source(%dma_start3A_15 : memref<16xi32, #tpu.memory_space<hbm>>) target(%arg8 : memref<16xi32, #tpu.memory_space<vmem>>) target_semaphore(%arg11 : memref<!tpu.dma_semaphore, #tpu.memory_space<semaphore_mem>>)
    %add3A_16 = arith.constant 96 : i32
    %add3A_17 = arith.addi %mul3A_2, %add3A_16 : i32
    %dma_start3A_18 = arith.constant 1 : i32
    %dma_start3A_19 = arith.constant 0 : i32
    %dma_start3A_20 = arith.constant 0 : i32
    %dma_start3A_21 = tpu.memref_slice %arg7[%dma_start3A_18, %dma_start3A_19, %dma_start3A_20] : memref<3x96x128xf32, #tpu.memory_space<vmem>> -> memref<1x96x128xf32, #tpu.memory_space<vmem>>
    %dma_start3A_22 = tpu.memref_squeeze %dma_start3A_21 : memref<1x96x128xf32, #tpu.memory_space<vmem>> -> memref<96x128xf32, #tpu.memory_space<vmem>>
    %dma_start3A_23 = arith.constant 0 : i32
    %dma_start3A_24 = tpu.memref_slice %arg2[%add3A_17, %dma_start3A_23] : memref<320000x128xf32, #tpu.memory_space<hbm>> -> memref<96x128xf32, #tpu.memory_space<hbm>>
    %dma_start3A_25 = arith.constant 0 : i32
    %dma_start3A_26 = arith.constant 0 : i32
    %dma_start3A_27 = tpu.memref_slice %arg7[%dma_start3A_18, %dma_start3A_25, %dma_start3A_26] : memref<3x96x128xf32, #tpu.memory_space<vmem>> -> memref<1x96x128xf32, #tpu.memory_space<vmem>>
    %dma_start3A_28 = tpu.memref_squeeze %dma_start3A_27 : memref<1x96x128xf32, #tpu.memory_space<vmem>> -> memref<96x128xf32, #tpu.memory_space<vmem>>
    %dma_start3A_29 = arith.constant 0 : i32
    %dma_start3A_30 = tpu.memref_slice %arg2[%add3A_17, %dma_start3A_29] : memref<320000x128xf32, #tpu.memory_space<hbm>> -> memref<96x128xf32, #tpu.memory_space<hbm>>
    tpu.enqueue_dma source(%dma_start3A_30 : memref<96x128xf32, #tpu.memory_space<hbm>>) target(%dma_start3A_28 : memref<96x128xf32, #tpu.memory_space<vmem>>) target_semaphore(%arg13 : memref<!tpu.dma_semaphore, #tpu.memory_space<semaphore_mem>>)
    %add3A_31 = arith.constant 192 : i32
    %add3A_32 = arith.addi %mul3A_2, %add3A_31 : i32
    %dma_start3A_33 = arith.constant 2 : i32
    %dma_start3A_34 = arith.constant 0 : i32
    %dma_start3A_35 = arith.constant 0 : i32
    %dma_start3A_36 = tpu.memref_slice %arg7[%dma_start3A_33, %dma_start3A_34, %dma_start3A_35] : memref<3x96x128xf32, #tpu.memory_space<vmem>> -> memref<1x96x128xf32, #tpu.memory_space<vmem>>
    %dma_start3A_37 = tpu.memref_squeeze %dma_start3A_36 : memref<1x96x128xf32, #tpu.memory_space<vmem>> -> memref<96x128xf32, #tpu.memory_space<vmem>>
    %dma_start3A_38 = arith.constant 0 : i32
    %dma_start3A_39 = tpu.memref_slice %arg2[%add3A_32, %dma_start3A_38] : memref<320000x128xf32, #tpu.memory_space<hbm>> -> memref<96x128xf32, #tpu.memory_space<hbm>>
    %dma_start3A_40 = arith.constant 0 : i32
    %dma_start3A_41 = arith.constant 0 : i32
    %dma_start3A_42 = tpu.memref_slice %arg7[%dma_start3A_33, %dma_start3A_40, %dma_start3A_41] : memref<3x96x128xf32, #tpu.memory_space<vmem>> -> memref<1x96x128xf32, #tpu.memory_space<vmem>>
    %dma_start3A_43 = tpu.memref_squeeze %dma_start3A_42 : memref<1x96x128xf32, #tpu.memory_space<vmem>> -> memref<96x128xf32, #tpu.memory_space<vmem>>
    %dma_start3A_44 = arith.constant 0 : i32
    %dma_start3A_45 = tpu.memref_slice %arg2[%add3A_32, %dma_start3A_44] : memref<320000x128xf32, #tpu.memory_space<hbm>> -> memref<96x128xf32, #tpu.memory_space<hbm>>
    tpu.enqueue_dma source(%dma_start3A_45 : memref<96x128xf32, #tpu.memory_space<hbm>>) target(%dma_start3A_43 : memref<96x128xf32, #tpu.memory_space<vmem>>) target_semaphore(%arg14 : memref<!tpu.dma_semaphore, #tpu.memory_space<semaphore_mem>>)
    %broadcast_in_dim3A = arith.constant 0.000000e+00 : f32
    %broadcast_in_dim3A_46 = vector.broadcast %broadcast_in_dim3A : f32 to vector<16xf32>
    %scan3A = arith.constant 0 : i32
    %scan3A_47 = arith.constant 0 : i32
    %scan3A_48 = arith.constant 0 : i32
    %scan3A_49 = arith.constant 96 : i32
    %scan3A_50 = arith.addi %scan3A_48, %scan3A_49 : i32
    %scan3A_51 = arith.constant 1 : i32
    scf.for %scan3A_186 = %scan3A_48 to %scan3A_50 step %scan3A_51  : i32 {
      %swap3A = arith.constant 0 : i32
      %swap3A_187 = arith.constant 0 : i32
      %swap3A_188 = tpu.memref_slice %arg7[%scan3A_47, %swap3A, %swap3A_187] : memref<3x96x128xf32, #tpu.memory_space<vmem>> -> memref<1x96x128xf32, #tpu.memory_space<vmem>>
      %swap3A_189 = tpu.memref_squeeze %swap3A_188 : memref<1x96x128xf32, #tpu.memory_space<vmem>> -> memref<96x128xf32, #tpu.memory_space<vmem>>
      %swap3A_190 = arith.index_cast %scan3A_186 : i32 to index
      %swap3A_191 = arith.constant 0 : index
      %swap3A_192 = tpu.vector_load %swap3A_189[%swap3A_190, %swap3A_191] {strides = array<i32>} : memref<96x128xf32, #tpu.memory_space<vmem>>, vector<1x16xf32>,
      %swap3A_193 = vector.shape_cast %swap3A_192 : vector<1x16xf32> to vector<16xf32>
      %swap3A_194 = vector.shape_cast %broadcast_in_dim3A_46 : vector<16xf32> to vector<1x16xf32>
      tpu.vector_store %swap3A_189[%swap3A_190, %swap3A_191], %swap3A_194 {strides = array<i32>} : memref<96x128xf32, #tpu.memory_space<vmem>>, vector<1x16xf32>,
      %swap3A_195 = arith.constant 0 : i32
      %swap3A_196 = arith.constant 0 : i32
      %swap3A_197 = tpu.memref_slice %arg7[%scan3A_47, %swap3A_195, %swap3A_196] : memref<3x96x128xf32, #tpu.memory_space<vmem>> -> memref<1x96x128xf32, #tpu.memory_space<vmem>>
      %swap3A_198 = tpu.memref_squeeze %swap3A_197 : memref<1x96x128xf32, #tpu.memory_space<vmem>> -> memref<96x128xf32, #tpu.memory_space<vmem>>
      %swap3A_199 = arith.index_cast %scan3A_186 : i32 to index
      %swap3A_200 = arith.constant 16 : index
      %swap3A_201 = tpu.vector_load %swap3A_198[%swap3A_199, %swap3A_200] {strides = array<i32>} : memref<96x128xf32, #tpu.memory_space<vmem>>, vector<1x16xf32>,
      %swap3A_202 = vector.shape_cast %swap3A_201 : vector<1x16xf32> to vector<16xf32>
      %swap3A_203 = vector.shape_cast %broadcast_in_dim3A_46 : vector<16xf32> to vector<1x16xf32>
      tpu.vector_store %swap3A_198[%swap3A_199, %swap3A_200], %swap3A_203 {strides = array<i32>} : memref<96x128xf32, #tpu.memory_space<vmem>>, vector<1x16xf32>,
      %swap3A_204 = arith.constant 0 : i32
      %swap3A_205 = arith.constant 0 : i32
      %swap3A_206 = tpu.memref_slice %arg7[%scan3A_47, %swap3A_204, %swap3A_205] : memref<3x96x128xf32, #tpu.memory_space<vmem>> -> memref<1x96x128xf32, #tpu.memory_space<vmem>>
      %swap3A_207 = tpu.memref_squeeze %swap3A_206 : memref<1x96x128xf32, #tpu.memory_space<vmem>> -> memref<96x128xf32, #tpu.memory_space<vmem>>
      %swap3A_208 = arith.index_cast %scan3A_186 : i32 to index
      %swap3A_209 = arith.constant 32 : index
      %swap3A_210 = tpu.vector_load %swap3A_207[%swap3A_208, %swap3A_209] {strides = array<i32>} : memref<96x128xf32, #tpu.memory_space<vmem>>, vector<1x16xf32>,
      %swap3A_211 = vector.shape_cast %swap3A_210 : vector<1x16xf32> to vector<16xf32>
      %swap3A_212 = vector.shape_cast %broadcast_in_dim3A_46 : vector<16xf32> to vector<1x16xf32>
      tpu.vector_store %swap3A_207[%swap3A_208, %swap3A_209], %swap3A_212 {strides = array<i32>} : memref<96x128xf32, #tpu.memory_space<vmem>>, vector<1x16xf32>,
      %swap3A_213 = arith.constant 0 : i32
      %swap3A_214 = arith.constant 0 : i32
      %swap3A_215 = tpu.memref_slice %arg7[%scan3A_47, %swap3A_213, %swap3A_214] : memref<3x96x128xf32, #tpu.memory_space<vmem>> -> memref<1x96x128xf32, #tpu.memory_space<vmem>>
      %swap3A_216 = tpu.memref_squeeze %swap3A_215 : memref<1x96x128xf32, #tpu.memory_space<vmem>> -> memref<96x128xf32, #tpu.memory_space<vmem>>
      %swap3A_217 = arith.index_cast %scan3A_186 : i32 to index
      %swap3A_218 = arith.constant 48 : index
      %swap3A_219 = tpu.vector_load %swap3A_216[%swap3A_217, %swap3A_218] {strides = array<i32>} : memref<96x128xf32, #tpu.memory_space<vmem>>, vector<1x16xf32>,
      %swap3A_220 = vector.shape_cast %swap3A_219 : vector<1x16xf32> to vector<16xf32>
      %swap3A_221 = vector.shape_cast %broadcast_in_dim3A_46 : vector<16xf32> to vector<1x16xf32>
      tpu.vector_store %swap3A_216[%swap3A_217, %swap3A_218], %swap3A_221 {strides = array<i32>} : memref<96x128xf32, #tpu.memory_space<vmem>>, vector<1x16xf32>,
      %swap3A_222 = arith.constant 0 : i32
      %swap3A_223 = arith.constant 0 : i32
      %swap3A_224 = tpu.memref_slice %arg7[%scan3A_47, %swap3A_222, %swap3A_223] : memref<3x96x128xf32, #tpu.memory_space<vmem>> -> memref<1x96x128xf32, #tpu.memory_space<vmem>>
      %swap3A_225 = tpu.memref_squeeze %swap3A_224 : memref<1x96x128xf32, #tpu.memory_space<vmem>> -> memref<96x128xf32, #tpu.memory_space<vmem>>
      %swap3A_226 = arith.index_cast %scan3A_186 : i32 to index
      %swap3A_227 = arith.constant 64 : index
      %swap3A_228 = tpu.vector_load %swap3A_225[%swap3A_226, %swap3A_227] {strides = array<i32>} : memref<96x128xf32, #tpu.memory_space<vmem>>, vector<1x16xf32>,
      %swap3A_229 = vector.shape_cast %swap3A_228 : vector<1x16xf32> to vector<16xf32>
      %swap3A_230 = vector.shape_cast %broadcast_in_dim3A_46 : vector<16xf32> to vector<1x16xf32>
      tpu.vector_store %swap3A_225[%swap3A_226, %swap3A_227], %swap3A_230 {strides = array<i32>} : memref<96x128xf32, #tpu.memory_space<vmem>>, vector<1x16xf32>,
      %swap3A_231 = arith.constant 0 : i32
      %swap3A_232 = arith.constant 0 : i32
      %swap3A_233 = tpu.memref_slice %arg7[%scan3A_47, %swap3A_231, %swap3A_232] : memref<3x96x128xf32, #tpu.memory_space<vmem>> -> memref<1x96x128xf32, #tpu.memory_space<vmem>>
      %swap3A_234 = tpu.memref_squeeze %swap3A_233 : memref<1x96x128xf32, #tpu.memory_space<vmem>> -> memref<96x128xf32, #tpu.memory_space<vmem>>
      %swap3A_235 = arith.index_cast %scan3A_186 : i32 to index
      %swap3A_236 = arith.constant 80 : index
      %swap3A_237 = tpu.vector_load %swap3A_234[%swap3A_235, %swap3A_236] {strides = array<i32>} : memref<96x128xf32, #tpu.memory_space<vmem>>, vector<1x16xf32>,
      %swap3A_238 = vector.shape_cast %swap3A_237 : vector<1x16xf32> to vector<16xf32>
      %swap3A_239 = vector.shape_cast %broadcast_in_dim3A_46 : vector<16xf32> to vector<1x16xf32>
      tpu.vector_store %swap3A_234[%swap3A_235, %swap3A_236], %swap3A_239 {strides = array<i32>} : memref<96x128xf32, #tpu.memory_space<vmem>>, vector<1x16xf32>,
      %swap3A_240 = arith.constant 0 : i32
      %swap3A_241 = arith.constant 0 : i32
      %swap3A_242 = tpu.memref_slice %arg7[%scan3A_47, %swap3A_240, %swap3A_241] : memref<3x96x128xf32, #tpu.memory_space<vmem>> -> memref<1x96x128xf32, #tpu.memory_space<vmem>>
      %swap3A_243 = tpu.memref_squeeze %swap3A_242 : memref<1x96x128xf32, #tpu.memory_space<vmem>> -> memref<96x128xf32, #tpu.memory_space<vmem>>
      %swap3A_244 = arith.index_cast %scan3A_186 : i32 to index
      %swap3A_245 = arith.constant 96 : index
      %swap3A_246 = tpu.vector_load %swap3A_243[%swap3A_244, %swap3A_245] {strides = array<i32>} : memref<96x128xf32, #tpu.memory_space<vmem>>, vector<1x16xf32>,
      %swap3A_247 = vector.shape_cast %swap3A_246 : vector<1x16xf32> to vector<16xf32>
      %swap3A_248 = vector.shape_cast %broadcast_in_dim3A_46 : vector<16xf32> to vector<1x16xf32>
      tpu.vector_store %swap3A_243[%swap3A_244, %swap3A_245], %swap3A_248 {strides = array<i32>} : memref<96x128xf32, #tpu.memory_space<vmem>>, vector<1x16xf32>,
      %swap3A_249 = arith.constant 0 : i32
      %swap3A_250 = arith.constant 0 : i32
      %swap3A_251 = tpu.memref_slice %arg7[%scan3A_47, %swap3A_249, %swap3A_250] : memref<3x96x128xf32, #tpu.memory_space<vmem>> -> memref<1x96x128xf32, #tpu.memory_space<vmem>>
      %swap3A_252 = tpu.memref_squeeze %swap3A_251 : memref<1x96x128xf32, #tpu.memory_space<vmem>> -> memref<96x128xf32, #tpu.memory_space<vmem>>
      %swap3A_253 = arith.index_cast %scan3A_186 : i32 to index
      %swap3A_254 = arith.constant 112 : index
      %swap3A_255 = tpu.vector_load %swap3A_252[%swap3A_253, %swap3A_254] {strides = array<i32>} : memref<96x128xf32, #tpu.memory_space<vmem>>, vector<1x16xf32>,
      %swap3A_256 = vector.shape_cast %swap3A_255 : vector<1x16xf32> to vector<16xf32>
      %swap3A_257 = vector.shape_cast %broadcast_in_dim3A_46 : vector<16xf32> to vector<1x16xf32>
      tpu.vector_store %swap3A_252[%swap3A_253, %swap3A_254], %swap3A_257 {strides = array<i32>} : memref<96x128xf32, #tpu.memory_space<vmem>>, vector<1x16xf32>,
    }
    %scan3A_52 = arith.constant 96 : i32
    %mul3A_53 = arith.constant 624 : i32
    %mul3A_54 = arith.muli %arg1, %mul3A_53 : i32
    %add3A_55 = arith.constant 0 : i32
    %add3A_56 = arith.addi %mul3A_54, %add3A_55 : i32
    %run_scoped3A = arith.constant 0 : i32
    "tpu.region"() ({
      %run_scoped3A_186 = tpu.sem_alloc : memref<!tpu.dma_semaphore, #tpu.memory_space<semaphore_mem>>
      %dma_start3A_187 = arith.constant 0 : i32
      %dma_start3A_188 = arith.constant 0 : i32
      %dma_start3A_189 = tpu.memref_slice %arg7[%run_scoped3A, %dma_start3A_187, %dma_start3A_188] : memref<3x96x128xf32, #tpu.memory_space<vmem>> -> memref<1x96x128xf32, #tpu.memory_space<vmem>>
      %dma_start3A_190 = tpu.memref_squeeze %dma_start3A_189 : memref<1x96x128xf32, #tpu.memory_space<vmem>> -> memref<96x128xf32, #tpu.memory_space<vmem>>
      %dma_start3A_191 = arith.constant 0 : i32
      %dma_start3A_192 = tpu.memref_slice %arg9[%add3A_56, %dma_start3A_191] : memref<10000x128xf32, #tpu.memory_space<vmem_shared>> -> memref<96x128xf32, #tpu.memory_space<vmem_shared>>
      %dma_start3A_193 = arith.constant 0 : i32
      %dma_start3A_194 = tpu.memref_slice %arg9[%add3A_56, %dma_start3A_193] : memref<10000x128xf32, #tpu.memory_space<vmem_shared>> -> memref<96x128xf32, #tpu.memory_space<vmem_shared>>
      %dma_start3A_195 = arith.constant 0 : i32
      %dma_start3A_196 = arith.constant 0 : i32
      %dma_start3A_197 = tpu.memref_slice %arg7[%run_scoped3A, %dma_start3A_195, %dma_start3A_196] : memref<3x96x128xf32, #tpu.memory_space<vmem>> -> memref<1x96x128xf32, #tpu.memory_space<vmem>>
      %dma_start3A_198 = tpu.memref_squeeze %dma_start3A_197 : memref<1x96x128xf32, #tpu.memory_space<vmem>> -> memref<96x128xf32, #tpu.memory_space<vmem>>
      tpu.enqueue_dma source(%dma_start3A_198 : memref<96x128xf32, #tpu.memory_space<vmem>>) target(%dma_start3A_194 : memref<96x128xf32, #tpu.memory_space<vmem_shared>>) target_semaphore(%run_scoped3A_186 : memref<!tpu.dma_semaphore, #tpu.memory_space<semaphore_mem>>)
      %dma_wait3A_199 = arith.constant 0 : i32
      %dma_wait3A_200 = arith.constant 0 : i32
      %dma_wait3A_201 = tpu.memref_slice %arg7[%run_scoped3A, %dma_wait3A_199, %dma_wait3A_200] : memref<3x96x128xf32, #tpu.memory_space<vmem>> -> memref<1x96x128xf32, #tpu.memory_space<vmem>>
      %dma_wait3A_202 = tpu.memref_squeeze %dma_wait3A_201 : memref<1x96x128xf32, #tpu.memory_space<vmem>> -> memref<96x128xf32, #tpu.memory_space<vmem>>
      %dma_wait3A_203 = arith.constant 0 : i32
      %dma_wait3A_204 = tpu.memref_slice %arg9[%add3A_56, %dma_wait3A_203] : memref<10000x128xf32, #tpu.memory_space<vmem_shared>> -> memref<96x128xf32, #tpu.memory_space<vmem_shared>>
      %dma_wait3A_205 = arith.constant 0 : i32
      %dma_wait3A_206 = tpu.memref_slice %arg9[%add3A_56, %dma_wait3A_205] : memref<10000x128xf32, #tpu.memory_space<vmem_shared>> -> memref<96x128xf32, #tpu.memory_space<vmem_shared>>
      %dma_wait3A_207 = arith.constant 0 : i32
      %dma_wait3A_208 = arith.constant 0 : i32
      %dma_wait3A_209 = tpu.memref_slice %arg7[%run_scoped3A, %dma_wait3A_207, %dma_wait3A_208] : memref<3x96x128xf32, #tpu.memory_space<vmem>> -> memref<1x96x128xf32, #tpu.memory_space<vmem>>
      %dma_wait3A_210 = tpu.memref_squeeze %dma_wait3A_209 : memref<1x96x128xf32, #tpu.memory_space<vmem>> -> memref<96x128xf32, #tpu.memory_space<vmem>>
      tpu.wait_dma2 semaphore(%run_scoped3A_186 : memref<!tpu.dma_semaphore, #tpu.memory_space<semaphore_mem>>) src(%dma_wait3A_210 : memref<96x128xf32, #tpu.memory_space<vmem>>) dst(%dma_wait3A_206 : memref<96x128xf32, #tpu.memory_space<vmem_shared>>)
      tpu.yield
    }) : () -> ()
    %add3A_57 = arith.constant 96 : i32
    %add3A_58 = arith.addi %mul3A_54, %add3A_57 : i32
    %run_scoped3A_59 = arith.constant 0 : i32
    "tpu.region"() ({
      %run_scoped3A_186 = tpu.sem_alloc : memref<!tpu.dma_semaphore, #tpu.memory_space<semaphore_mem>>
      %dma_start3A_187 = arith.constant 0 : i32
      %dma_start3A_188 = arith.constant 0 : i32
      %dma_start3A_189 = tpu.memref_slice %arg7[%run_scoped3A_59, %dma_start3A_187, %dma_start3A_188] : memref<3x96x128xf32, #tpu.memory_space<vmem>> -> memref<1x96x128xf32, #tpu.memory_space<vmem>>
      %dma_start3A_190 = tpu.memref_squeeze %dma_start3A_189 : memref<1x96x128xf32, #tpu.memory_space<vmem>> -> memref<96x128xf32, #tpu.memory_space<vmem>>
      %dma_start3A_191 = arith.constant 0 : i32
      %dma_start3A_192 = tpu.memref_slice %arg9[%add3A_58, %dma_start3A_191] : memref<10000x128xf32, #tpu.memory_space<vmem_shared>> -> memref<96x128xf32, #tpu.memory_space<vmem_shared>>
      %dma_start3A_193 = arith.constant 0 : i32
      %dma_start3A_194 = tpu.memref_slice %arg9[%add3A_58, %dma_start3A_193] : memref<10000x128xf32, #tpu.memory_space<vmem_shared>> -> memref<96x128xf32, #tpu.memory_space<vmem_shared>>
      %dma_start3A_195 = arith.constant 0 : i32
      %dma_start3A_196 = arith.constant 0 : i32
      %dma_start3A_197 = tpu.memref_slice %arg7[%run_scoped3A_59, %dma_start3A_195, %dma_start3A_196] : memref<3x96x128xf32, #tpu.memory_space<vmem>> -> memref<1x96x128xf32, #tpu.memory_space<vmem>>
      %dma_start3A_198 = tpu.memref_squeeze %dma_start3A_197 : memref<1x96x128xf32, #tpu.memory_space<vmem>> -> memref<96x128xf32, #tpu.memory_space<vmem>>
      tpu.enqueue_dma source(%dma_start3A_198 : memref<96x128xf32, #tpu.memory_space<vmem>>) target(%dma_start3A_194 : memref<96x128xf32, #tpu.memory_space<vmem_shared>>) target_semaphore(%run_scoped3A_186 : memref<!tpu.dma_semaphore, #tpu.memory_space<semaphore_mem>>)
      %dma_wait3A_199 = arith.constant 0 : i32
      %dma_wait3A_200 = arith.constant 0 : i32
      %dma_wait3A_201 = tpu.memref_slice %arg7[%run_scoped3A_59, %dma_wait3A_199, %dma_wait3A_200] : memref<3x96x128xf32, #tpu.memory_space<vmem>> -> memref<1x96x128xf32, #tpu.memory_space<vmem>>
      %dma_wait3A_202 = tpu.memref_squeeze %dma_wait3A_201 : memref<1x96x128xf32, #tpu.memory_space<vmem>> -> memref<96x128xf32, #tpu.memory_space<vmem>>
      %dma_wait3A_203 = arith.constant 0 : i32
      %dma_wait3A_204 = tpu.memref_slice %arg9[%add3A_58, %dma_wait3A_203] : memref<10000x128xf32, #tpu.memory_space<vmem_shared>> -> memref<96x128xf32, #tpu.memory_space<vmem_shared>>
      %dma_wait3A_205 = arith.constant 0 : i32
      %dma_wait3A_206 = tpu.memref_slice %arg9[%add3A_58, %dma_wait3A_205] : memref<10000x128xf32, #tpu.memory_space<vmem_shared>> -> memref<96x128xf32, #tpu.memory_space<vmem_shared>>
      %dma_wait3A_207 = arith.constant 0 : i32
      %dma_wait3A_208 = arith.constant 0 : i32
      %dma_wait3A_209 = tpu.memref_slice %arg7[%run_scoped3A_59, %dma_wait3A_207, %dma_wait3A_208] : memref<3x96x128xf32, #tpu.memory_space<vmem>> -> memref<1x96x128xf32, #tpu.memory_space<vmem>>
      %dma_wait3A_210 = tpu.memref_squeeze %dma_wait3A_209 : memref<1x96x128xf32, #tpu.memory_space<vmem>> -> memref<96x128xf32, #tpu.memory_space<vmem>>
      tpu.wait_dma2 semaphore(%run_scoped3A_186 : memref<!tpu.dma_semaphore, #tpu.memory_space<semaphore_mem>>) src(%dma_wait3A_210 : memref<96x128xf32, #tpu.memory_space<vmem>>) dst(%dma_wait3A_206 : memref<96x128xf32, #tpu.memory_space<vmem_shared>>)
      tpu.yield
    }) : () -> ()
    %add3A_60 = arith.constant 192 : i32
    %add3A_61 = arith.addi %mul3A_54, %add3A_60 : i32
    %run_scoped3A_62 = arith.constant 0 : i32
    "tpu.region"() ({
      %run_scoped3A_186 = tpu.sem_alloc : memref<!tpu.dma_semaphore, #tpu.memory_space<semaphore_mem>>
      %dma_start3A_187 = arith.constant 0 : i32
      %dma_start3A_188 = arith.constant 0 : i32
      %dma_start3A_189 = tpu.memref_slice %arg7[%run_scoped3A_62, %dma_start3A_187, %dma_start3A_188] : memref<3x96x128xf32, #tpu.memory_space<vmem>> -> memref<1x96x128xf32, #tpu.memory_space<vmem>>
      %dma_start3A_190 = tpu.memref_squeeze %dma_start3A_189 : memref<1x96x128xf32, #tpu.memory_space<vmem>> -> memref<96x128xf32, #tpu.memory_space<vmem>>
      %dma_start3A_191 = arith.constant 0 : i32
      %dma_start3A_192 = tpu.memref_slice %arg9[%add3A_61, %dma_start3A_191] : memref<10000x128xf32, #tpu.memory_space<vmem_shared>> -> memref<96x128xf32, #tpu.memory_space<vmem_shared>>
      %dma_start3A_193 = arith.constant 0 : i32
      %dma_start3A_194 = tpu.memref_slice %arg9[%add3A_61, %dma_start3A_193] : memref<10000x128xf32, #tpu.memory_space<vmem_shared>> -> memref<96x128xf32, #tpu.memory_space<vmem_shared>>
      %dma_start3A_195 = arith.constant 0 : i32
      %dma_start3A_196 = arith.constant 0 : i32
      %dma_start3A_197 = tpu.memref_slice %arg7[%run_scoped3A_62, %dma_start3A_195, %dma_start3A_196] : memref<3x96x128xf32, #tpu.memory_space<vmem>> -> memref<1x96x128xf32, #tpu.memory_space<vmem>>
      %dma_start3A_198 = tpu.memref_squeeze %dma_start3A_197 : memref<1x96x128xf32, #tpu.memory_space<vmem>> -> memref<96x128xf32, #tpu.memory_space<vmem>>
      tpu.enqueue_dma source(%dma_start3A_198 : memref<96x128xf32, #tpu.memory_space<vmem>>) target(%dma_start3A_194 : memref<96x128xf32, #tpu.memory_space<vmem_shared>>) target_semaphore(%run_scoped3A_186 : memref<!tpu.dma_semaphore, #tpu.memory_space<semaphore_mem>>)
      %dma_wait3A_199 = arith.constant 0 : i32
      %dma_wait3A_200 = arith.constant 0 : i32
      %dma_wait3A_201 = tpu.memref_slice %arg7[%run_scoped3A_62, %dma_wait3A_199, %dma_wait3A_200] : memref<3x96x128xf32, #tpu.memory_space<vmem>> -> memref<1x96x128xf32, #tpu.memory_space<vmem>>
      %dma_wait3A_202 = tpu.memref_squeeze %dma_wait3A_201 : memref<1x96x128xf32, #tpu.memory_space<vmem>> -> memref<96x128xf32, #tpu.memory_space<vmem>>
      %dma_wait3A_203 = arith.constant 0 : i32
      %dma_wait3A_204 = tpu.memref_slice %arg9[%add3A_61, %dma_wait3A_203] : memref<10000x128xf32, #tpu.memory_space<vmem_shared>> -> memref<96x128xf32, #tpu.memory_space<vmem_shared>>
      %dma_wait3A_205 = arith.constant 0 : i32
      %dma_wait3A_206 = tpu.memref_slice %arg9[%add3A_61, %dma_wait3A_205] : memref<10000x128xf32, #tpu.memory_space<vmem_shared>> -> memref<96x128xf32, #tpu.memory_space<vmem_shared>>
      %dma_wait3A_207 = arith.constant 0 : i32
      %dma_wait3A_208 = arith.constant 0 : i32
      %dma_wait3A_209 = tpu.memref_slice %arg7[%run_scoped3A_62, %dma_wait3A_207, %dma_wait3A_208] : memref<3x96x128xf32, #tpu.memory_space<vmem>> -> memref<1x96x128xf32, #tpu.memory_space<vmem>>
      %dma_wait3A_210 = tpu.memref_squeeze %dma_wait3A_209 : memref<1x96x128xf32, #tpu.memory_space<vmem>> -> memref<96x128xf32, #tpu.memory_space<vmem>>
      tpu.wait_dma2 semaphore(%run_scoped3A_186 : memref<!tpu.dma_semaphore, #tpu.memory_space<semaphore_mem>>) src(%dma_wait3A_210 : memref<96x128xf32, #tpu.memory_space<vmem>>) dst(%dma_wait3A_206 : memref<96x128xf32, #tpu.memory_space<vmem_shared>>)
      tpu.yield
    }) : () -> ()
    %add3A_63 = arith.constant 288 : i32
    %add3A_64 = arith.addi %mul3A_54, %add3A_63 : i32
    %run_scoped3A_65 = arith.constant 0 : i32
    "tpu.region"() ({
      %run_scoped3A_186 = tpu.sem_alloc : memref<!tpu.dma_semaphore, #tpu.memory_space<semaphore_mem>>
      %dma_start3A_187 = arith.constant 0 : i32
      %dma_start3A_188 = arith.constant 0 : i32
      %dma_start3A_189 = tpu.memref_slice %arg7[%run_scoped3A_65, %dma_start3A_187, %dma_start3A_188] : memref<3x96x128xf32, #tpu.memory_space<vmem>> -> memref<1x96x128xf32, #tpu.memory_space<vmem>>
      %dma_start3A_190 = tpu.memref_squeeze %dma_start3A_189 : memref<1x96x128xf32, #tpu.memory_space<vmem>> -> memref<96x128xf32, #tpu.memory_space<vmem>>
      %dma_start3A_191 = arith.constant 0 : i32
      %dma_start3A_192 = tpu.memref_slice %arg9[%add3A_64, %dma_start3A_191] : memref<10000x128xf32, #tpu.memory_space<vmem_shared>> -> memref<96x128xf32, #tpu.memory_space<vmem_shared>>
      %dma_start3A_193 = arith.constant 0 : i32
      %dma_start3A_194 = tpu.memref_slice %arg9[%add3A_64, %dma_start3A_193] : memref<10000x128xf32, #tpu.memory_space<vmem_shared>> -> memref<96x128xf32, #tpu.memory_space<vmem_shared>>
      %dma_start3A_195 = arith.constant 0 : i32
      %dma_start3A_196 = arith.constant 0 : i32
      %dma_start3A_197 = tpu.memref_slice %arg7[%run_scoped3A_65, %dma_start3A_195, %dma_start3A_196] : memref<3x96x128xf32, #tpu.memory_space<vmem>> -> memref<1x96x128xf32, #tpu.memory_space<vmem>>
      %dma_start3A_198 = tpu.memref_squeeze %dma_start3A_197 : memref<1x96x128xf32, #tpu.memory_space<vmem>> -> memref<96x128xf32, #tpu.memory_space<vmem>>
      tpu.enqueue_dma source(%dma_start3A_198 : memref<96x128xf32, #tpu.memory_space<vmem>>) target(%dma_start3A_194 : memref<96x128xf32, #tpu.memory_space<vmem_shared>>) target_semaphore(%run_scoped3A_186 : memref<!tpu.dma_semaphore, #tpu.memory_space<semaphore_mem>>)
      %dma_wait3A_199 = arith.constant 0 : i32
      %dma_wait3A_200 = arith.constant 0 : i32
      %dma_wait3A_201 = tpu.memref_slice %arg7[%run_scoped3A_65, %dma_wait3A_199, %dma_wait3A_200] : memref<3x96x128xf32, #tpu.memory_space<vmem>> -> memref<1x96x128xf32, #tpu.memory_space<vmem>>
      %dma_wait3A_202 = tpu.memref_squeeze %dma_wait3A_201 : memref<1x96x128xf32, #tpu.memory_space<vmem>> -> memref<96x128xf32, #tpu.memory_space<vmem>>
      %dma_wait3A_203 = arith.constant 0 : i32
      %dma_wait3A_204 = tpu.memref_slice %arg9[%add3A_64, %dma_wait3A_203] : memref<10000x128xf32, #tpu.memory_space<vmem_shared>> -> memref<96x128xf32, #tpu.memory_space<vmem_shared>>
      %dma_wait3A_205 = arith.constant 0 : i32
      %dma_wait3A_206 = tpu.memref_slice %arg9[%add3A_64, %dma_wait3A_205] : memref<10000x128xf32, #tpu.memory_space<vmem_shared>> -> memref<96x128xf32, #tpu.memory_space<vmem_shared>>
      %dma_wait3A_207 = arith.constant 0 : i32
      %dma_wait3A_208 = arith.constant 0 : i32
      %dma_wait3A_209 = tpu.memref_slice %arg7[%run_scoped3A_65, %dma_wait3A_207, %dma_wait3A_208] : memref<3x96x128xf32, #tpu.memory_space<vmem>> -> memref<1x96x128xf32, #tpu.memory_space<vmem>>
      %dma_wait3A_210 = tpu.memref_squeeze %dma_wait3A_209 : memref<1x96x128xf32, #tpu.memory_space<vmem>> -> memref<96x128xf32, #tpu.memory_space<vmem>>
      tpu.wait_dma2 semaphore(%run_scoped3A_186 : memref<!tpu.dma_semaphore, #tpu.memory_space<semaphore_mem>>) src(%dma_wait3A_210 : memref<96x128xf32, #tpu.memory_space<vmem>>) dst(%dma_wait3A_206 : memref<96x128xf32, #tpu.memory_space<vmem_shared>>)
      tpu.yield
    }) : () -> ()
    %add3A_66 = arith.constant 384 : i32
    %add3A_67 = arith.addi %mul3A_54, %add3A_66 : i32
    %run_scoped3A_68 = arith.constant 0 : i32
    "tpu.region"() ({
      %run_scoped3A_186 = tpu.sem_alloc : memref<!tpu.dma_semaphore, #tpu.memory_space<semaphore_mem>>
      %dma_start3A_187 = arith.constant 0 : i32
      %dma_start3A_188 = arith.constant 0 : i32
      %dma_start3A_189 = tpu.memref_slice %arg7[%run_scoped3A_68, %dma_start3A_187, %dma_start3A_188] : memref<3x96x128xf32, #tpu.memory_space<vmem>> -> memref<1x96x128xf32, #tpu.memory_space<vmem>>
      %dma_start3A_190 = tpu.memref_squeeze %dma_start3A_189 : memref<1x96x128xf32, #tpu.memory_space<vmem>> -> memref<96x128xf32, #tpu.memory_space<vmem>>
      %dma_start3A_191 = arith.constant 0 : i32
      %dma_start3A_192 = tpu.memref_slice %arg9[%add3A_67, %dma_start3A_191] : memref<10000x128xf32, #tpu.memory_space<vmem_shared>> -> memref<96x128xf32, #tpu.memory_space<vmem_shared>>
      %dma_start3A_193 = arith.constant 0 : i32
      %dma_start3A_194 = tpu.memref_slice %arg9[%add3A_67, %dma_start3A_193] : memref<10000x128xf32, #tpu.memory_space<vmem_shared>> -> memref<96x128xf32, #tpu.memory_space<vmem_shared>>
      %dma_start3A_195 = arith.constant 0 : i32
      %dma_start3A_196 = arith.constant 0 : i32
      %dma_start3A_197 = tpu.memref_slice %arg7[%run_scoped3A_68, %dma_start3A_195, %dma_start3A_196] : memref<3x96x128xf32, #tpu.memory_space<vmem>> -> memref<1x96x128xf32, #tpu.memory_space<vmem>>
      %dma_start3A_198 = tpu.memref_squeeze %dma_start3A_197 : memref<1x96x128xf32, #tpu.memory_space<vmem>> -> memref<96x128xf32, #tpu.memory_space<vmem>>
      tpu.enqueue_dma source(%dma_start3A_198 : memref<96x128xf32, #tpu.memory_space<vmem>>) target(%dma_start3A_194 : memref<96x128xf32, #tpu.memory_space<vmem_shared>>) target_semaphore(%run_scoped3A_186 : memref<!tpu.dma_semaphore, #tpu.memory_space<semaphore_mem>>)
      %dma_wait3A_199 = arith.constant 0 : i32
      %dma_wait3A_200 = arith.constant 0 : i32
      %dma_wait3A_201 = tpu.memref_slice %arg7[%run_scoped3A_68, %dma_wait3A_199, %dma_wait3A_200] : memref<3x96x128xf32, #tpu.memory_space<vmem>> -> memref<1x96x128xf32, #tpu.memory_space<vmem>>
      %dma_wait3A_202 = tpu.memref_squeeze %dma_wait3A_201 : memref<1x96x128xf32, #tpu.memory_space<vmem>> -> memref<96x128xf32, #tpu.memory_space<vmem>>
      %dma_wait3A_203 = arith.constant 0 : i32
      %dma_wait3A_204 = tpu.memref_slice %arg9[%add3A_67, %dma_wait3A_203] : memref<10000x128xf32, #tpu.memory_space<vmem_shared>> -> memref<96x128xf32, #tpu.memory_space<vmem_shared>>
      %dma_wait3A_205 = arith.constant 0 : i32
      %dma_wait3A_206 = tpu.memref_slice %arg9[%add3A_67, %dma_wait3A_205] : memref<10000x128xf32, #tpu.memory_space<vmem_shared>> -> memref<96x128xf32, #tpu.memory_space<vmem_shared>>
      %dma_wait3A_207 = arith.constant 0 : i32
      %dma_wait3A_208 = arith.constant 0 : i32
      %dma_wait3A_209 = tpu.memref_slice %arg7[%run_scoped3A_68, %dma_wait3A_207, %dma_wait3A_208] : memref<3x96x128xf32, #tpu.memory_space<vmem>> -> memref<1x96x128xf32, #tpu.memory_space<vmem>>
      %dma_wait3A_210 = tpu.memref_squeeze %dma_wait3A_209 : memref<1x96x128xf32, #tpu.memory_space<vmem>> -> memref<96x128xf32, #tpu.memory_space<vmem>>
      tpu.wait_dma2 semaphore(%run_scoped3A_186 : memref<!tpu.dma_semaphore, #tpu.memory_space<semaphore_mem>>) src(%dma_wait3A_210 : memref<96x128xf32, #tpu.memory_space<vmem>>) dst(%dma_wait3A_206 : memref<96x128xf32, #tpu.memory_space<vmem_shared>>)
      tpu.yield
    }) : () -> ()
    %add3A_69 = arith.constant 480 : i32
    %add3A_70 = arith.addi %mul3A_54, %add3A_69 : i32
    %run_scoped3A_71 = arith.constant 0 : i32
    "tpu.region"() ({
      %run_scoped3A_186 = tpu.sem_alloc : memref<!tpu.dma_semaphore, #tpu.memory_space<semaphore_mem>>
      %dma_start3A_187 = arith.constant 0 : i32
      %dma_start3A_188 = arith.constant 0 : i32
      %dma_start3A_189 = tpu.memref_slice %arg7[%run_scoped3A_71, %dma_start3A_187, %dma_start3A_188] : memref<3x96x128xf32, #tpu.memory_space<vmem>> -> memref<1x96x128xf32, #tpu.memory_space<vmem>>
      %dma_start3A_190 = tpu.memref_squeeze %dma_start3A_189 : memref<1x96x128xf32, #tpu.memory_space<vmem>> -> memref<96x128xf32, #tpu.memory_space<vmem>>
      %dma_start3A_191 = arith.constant 0 : i32
      %dma_start3A_192 = tpu.memref_slice %arg9[%add3A_70, %dma_start3A_191] : memref<10000x128xf32, #tpu.memory_space<vmem_shared>> -> memref<96x128xf32, #tpu.memory_space<vmem_shared>>
      %dma_start3A_193 = arith.constant 0 : i32
      %dma_start3A_194 = tpu.memref_slice %arg9[%add3A_70, %dma_start3A_193] : memref<10000x128xf32, #tpu.memory_space<vmem_shared>> -> memref<96x128xf32, #tpu.memory_space<vmem_shared>>
      %dma_start3A_195 = arith.constant 0 : i32
      %dma_start3A_196 = arith.constant 0 : i32
      %dma_start3A_197 = tpu.memref_slice %arg7[%run_scoped3A_71, %dma_start3A_195, %dma_start3A_196] : memref<3x96x128xf32, #tpu.memory_space<vmem>> -> memref<1x96x128xf32, #tpu.memory_space<vmem>>
      %dma_start3A_198 = tpu.memref_squeeze %dma_start3A_197 : memref<1x96x128xf32, #tpu.memory_space<vmem>> -> memref<96x128xf32, #tpu.memory_space<vmem>>
      tpu.enqueue_dma source(%dma_start3A_198 : memref<96x128xf32, #tpu.memory_space<vmem>>) target(%dma_start3A_194 : memref<96x128xf32, #tpu.memory_space<vmem_shared>>) target_semaphore(%run_scoped3A_186 : memref<!tpu.dma_semaphore, #tpu.memory_space<semaphore_mem>>)
      %dma_wait3A_199 = arith.constant 0 : i32
      %dma_wait3A_200 = arith.constant 0 : i32
      %dma_wait3A_201 = tpu.memref_slice %arg7[%run_scoped3A_71, %dma_wait3A_199, %dma_wait3A_200] : memref<3x96x128xf32, #tpu.memory_space<vmem>> -> memref<1x96x128xf32, #tpu.memory_space<vmem>>
      %dma_wait3A_202 = tpu.memref_squeeze %dma_wait3A_201 : memref<1x96x128xf32, #tpu.memory_space<vmem>> -> memref<96x128xf32, #tpu.memory_space<vmem>>
      %dma_wait3A_203 = arith.constant 0 : i32
      %dma_wait3A_204 = tpu.memref_slice %arg9[%add3A_70, %dma_wait3A_203] : memref<10000x128xf32, #tpu.memory_space<vmem_shared>> -> memref<96x128xf32, #tpu.memory_space<vmem_shared>>
      %dma_wait3A_205 = arith.constant 0 : i32
      %dma_wait3A_206 = tpu.memref_slice %arg9[%add3A_70, %dma_wait3A_205] : memref<10000x128xf32, #tpu.memory_space<vmem_shared>> -> memref<96x128xf32, #tpu.memory_space<vmem_shared>>
      %dma_wait3A_207 = arith.constant 0 : i32
      %dma_wait3A_208 = arith.constant 0 : i32
      %dma_wait3A_209 = tpu.memref_slice %arg7[%run_scoped3A_71, %dma_wait3A_207, %dma_wait3A_208] : memref<3x96x128xf32, #tpu.memory_space<vmem>> -> memref<1x96x128xf32, #tpu.memory_space<vmem>>
      %dma_wait3A_210 = tpu.memref_squeeze %dma_wait3A_209 : memref<1x96x128xf32, #tpu.memory_space<vmem>> -> memref<96x128xf32, #tpu.memory_space<vmem>>
      tpu.wait_dma2 semaphore(%run_scoped3A_186 : memref<!tpu.dma_semaphore, #tpu.memory_space<semaphore_mem>>) src(%dma_wait3A_210 : memref<96x128xf32, #tpu.memory_space<vmem>>) dst(%dma_wait3A_206 : memref<96x128xf32, #tpu.memory_space<vmem_shared>>)
      tpu.yield
    }) : () -> ()
    %add3A_72 = arith.constant 576 : i32
    %add3A_73 = arith.addi %mul3A_54, %add3A_72 : i32
    %run_scoped3A_74 = arith.constant 0 : i32
    "tpu.region"() ({
      %run_scoped3A_186 = tpu.sem_alloc : memref<!tpu.dma_semaphore, #tpu.memory_space<semaphore_mem>>
      %dma_start3A_187 = arith.constant 0 : i32
      %dma_start3A_188 = arith.constant 0 : i32
      %dma_start3A_189 = tpu.memref_slice %arg7[%run_scoped3A_74, %dma_start3A_187, %dma_start3A_188] : memref<3x96x128xf32, #tpu.memory_space<vmem>> -> memref<1x96x128xf32, #tpu.memory_space<vmem>>
      %dma_start3A_190 = tpu.memref_squeeze %dma_start3A_189 : memref<1x96x128xf32, #tpu.memory_space<vmem>> -> memref<96x128xf32, #tpu.memory_space<vmem>>
      %dma_start3A_191 = arith.constant 0 : i32
      %dma_start3A_192 = arith.constant 0 : i32
      %dma_start3A_193 = tpu.memref_slice %dma_start3A_190[%dma_start3A_191, %dma_start3A_192] : memref<96x128xf32, #tpu.memory_space<vmem>> -> memref<48x128xf32, #tpu.memory_space<vmem>>
      %dma_start3A_194 = arith.constant 0 : i32
      %dma_start3A_195 = tpu.memref_slice %arg9[%add3A_73, %dma_start3A_194] : memref<10000x128xf32, #tpu.memory_space<vmem_shared>> -> memref<48x128xf32, #tpu.memory_space<vmem_shared>>
      %dma_start3A_196 = arith.constant 0 : i32
      %dma_start3A_197 = tpu.memref_slice %arg9[%add3A_73, %dma_start3A_196] : memref<10000x128xf32, #tpu.memory_space<vmem_shared>> -> memref<48x128xf32, #tpu.memory_space<vmem_shared>>
      %dma_start3A_198 = arith.constant 0 : i32
      %dma_start3A_199 = arith.constant 0 : i32
      %dma_start3A_200 = tpu.memref_slice %arg7[%run_scoped3A_74, %dma_start3A_198, %dma_start3A_199] : memref<3x96x128xf32, #tpu.memory_space<vmem>> -> memref<1x96x128xf32, #tpu.memory_space<vmem>>
      %dma_start3A_201 = tpu.memref_squeeze %dma_start3A_200 : memref<1x96x128xf32, #tpu.memory_space<vmem>> -> memref<96x128xf32, #tpu.memory_space<vmem>>
      %dma_start3A_202 = arith.constant 0 : i32
      %dma_start3A_203 = arith.constant 0 : i32
      %dma_start3A_204 = tpu.memref_slice %dma_start3A_201[%dma_start3A_202, %dma_start3A_203] : memref<96x128xf32, #tpu.memory_space<vmem>> -> memref<48x128xf32, #tpu.memory_space<vmem>>
      tpu.enqueue_dma source(%dma_start3A_204 : memref<48x128xf32, #tpu.memory_space<vmem>>) target(%dma_start3A_197 : memref<48x128xf32, #tpu.memory_space<vmem_shared>>) target_semaphore(%run_scoped3A_186 : memref<!tpu.dma_semaphore, #tpu.memory_space<semaphore_mem>>)
      %dma_wait3A_205 = arith.constant 0 : i32
      %dma_wait3A_206 = arith.constant 0 : i32
      %dma_wait3A_207 = tpu.memref_slice %arg7[%run_scoped3A_74, %dma_wait3A_205, %dma_wait3A_206] : memref<3x96x128xf32, #tpu.memory_space<vmem>> -> memref<1x96x128xf32, #tpu.memory_space<vmem>>
      %dma_wait3A_208 = tpu.memref_squeeze %dma_wait3A_207 : memref<1x96x128xf32, #tpu.memory_space<vmem>> -> memref<96x128xf32, #tpu.memory_space<vmem>>
      %dma_wait3A_209 = arith.constant 0 : i32
      %dma_wait3A_210 = arith.constant 0 : i32
      %dma_wait3A_211 = tpu.memref_slice %dma_wait3A_208[%dma_wait3A_209, %dma_wait3A_210] : memref<96x128xf32, #tpu.memory_space<vmem>> -> memref<48x128xf32, #tpu.memory_space<vmem>>
      %dma_wait3A_212 = arith.constant 0 : i32
      %dma_wait3A_213 = tpu.memref_slice %arg9[%add3A_73, %dma_wait3A_212] : memref<10000x128xf32, #tpu.memory_space<vmem_shared>> -> memref<48x128xf32, #tpu.memory_space<vmem_shared>>
      %dma_wait3A_214 = arith.constant 0 : i32
      %dma_wait3A_215 = tpu.memref_slice %arg9[%add3A_73, %dma_wait3A_214] : memref<10000x128xf32, #tpu.memory_space<vmem_shared>> -> memref<48x128xf32, #tpu.memory_space<vmem_shared>>
      %dma_wait3A_216 = arith.constant 0 : i32
      %dma_wait3A_217 = arith.constant 0 : i32
      %dma_wait3A_218 = tpu.memref_slice %arg7[%run_scoped3A_74, %dma_wait3A_216, %dma_wait3A_217] : memref<3x96x128xf32, #tpu.memory_space<vmem>> -> memref<1x96x128xf32, #tpu.memory_space<vmem>>
      %dma_wait3A_219 = tpu.memref_squeeze %dma_wait3A_218 : memref<1x96x128xf32, #tpu.memory_space<vmem>> -> memref<96x128xf32, #tpu.memory_space<vmem>>
      %dma_wait3A_220 = arith.constant 0 : i32
      %dma_wait3A_221 = arith.constant 0 : i32
      %dma_wait3A_222 = tpu.memref_slice %dma_wait3A_219[%dma_wait3A_220, %dma_wait3A_221] : memref<96x128xf32, #tpu.memory_space<vmem>> -> memref<48x128xf32, #tpu.memory_space<vmem>>
      tpu.wait_dma2 semaphore(%run_scoped3A_186 : memref<!tpu.dma_semaphore, #tpu.memory_space<semaphore_mem>>) src(%dma_wait3A_222 : memref<48x128xf32, #tpu.memory_space<vmem>>) dst(%dma_wait3A_215 : memref<48x128xf32, #tpu.memory_space<vmem_shared>>)
      tpu.yield
    }) : () -> ()
    %eq3A = arith.constant 0 : i32
    %eq3A_75 = arith.cmpi eq, %arg1, %eq3A : i32
    %convert_element_type3A = arith.extui %eq3A_75 : i1 to i32
    %cond3A = arith.constant 0 : i32
    %cond3A_76 = arith.constant 0 : i32
    %cond3A_77 = arith.cmpi ne, %convert_element_type3A, %cond3A_76 : i32
    scf.if %cond3A_77 {
      "tpu.region"() ({
        %run_scoped3A_186 = tpu.sem_alloc : memref<!tpu.dma_semaphore, #tpu.memory_space<semaphore_mem>>
        %dma_start3A_187 = arith.constant 0 : i32
        %dma_start3A_188 = arith.constant 0 : i32
        %dma_start3A_189 = tpu.memref_slice %arg7[%cond3A, %dma_start3A_187, %dma_start3A_188] : memref<3x96x128xf32, #tpu.memory_space<vmem>> -> memref<1x96x128xf32, #tpu.memory_space<vmem>>
        %dma_start3A_190 = tpu.memref_squeeze %dma_start3A_189 : memref<1x96x128xf32, #tpu.memory_space<vmem>> -> memref<96x128xf32, #tpu.memory_space<vmem>>
        %dma_start3A_191 = arith.constant 0 : i32
        %dma_start3A_192 = arith.constant 0 : i32
        %dma_start3A_193 = tpu.memref_slice %dma_start3A_190[%dma_start3A_191, %dma_start3A_192] : memref<96x128xf32, #tpu.memory_space<vmem>> -> memref<16x128xf32, #tpu.memory_space<vmem>>
        %dma_start3A_194 = arith.constant 9984 : i32
        %dma_start3A_195 = arith.constant 0 : i32
        %dma_start3A_196 = tpu.memref_slice %arg9[%dma_start3A_194, %dma_start3A_195] : memref<10000x128xf32, #tpu.memory_space<vmem_shared>> -> memref<16x128xf32, #tpu.memory_space<vmem_shared>>
        %dma_start3A_197 = arith.constant 9984 : i32
        %dma_start3A_198 = arith.constant 0 : i32
        %dma_start3A_199 = tpu.memref_slice %arg9[%dma_start3A_197, %dma_start3A_198] : memref<10000x128xf32, #tpu.memory_space<vmem_shared>> -> memref<16x128xf32, #tpu.memory_space<vmem_shared>>
        %dma_start3A_200 = arith.constant 0 : i32
        %dma_start3A_201 = arith.constant 0 : i32
        %dma_start3A_202 = tpu.memref_slice %arg7[%cond3A, %dma_start3A_200, %dma_start3A_201] : memref<3x96x128xf32, #tpu.memory_space<vmem>> -> memref<1x96x128xf32, #tpu.memory_space<vmem>>
        %dma_start3A_203 = tpu.memref_squeeze %dma_start3A_202 : memref<1x96x128xf32, #tpu.memory_space<vmem>> -> memref<96x128xf32, #tpu.memory_space<vmem>>
        %dma_start3A_204 = arith.constant 0 : i32
        %dma_start3A_205 = arith.constant 0 : i32
        %dma_start3A_206 = tpu.memref_slice %dma_start3A_203[%dma_start3A_204, %dma_start3A_205] : memref<96x128xf32, #tpu.memory_space<vmem>> -> memref<16x128xf32, #tpu.memory_space<vmem>>
        tpu.enqueue_dma source(%dma_start3A_206 : memref<16x128xf32, #tpu.memory_space<vmem>>) target(%dma_start3A_199 : memref<16x128xf32, #tpu.memory_space<vmem_shared>>) target_semaphore(%run_scoped3A_186 : memref<!tpu.dma_semaphore, #tpu.memory_space<semaphore_mem>>)
        %dma_wait3A_207 = arith.constant 0 : i32
        %dma_wait3A_208 = arith.constant 0 : i32
        %dma_wait3A_209 = tpu.memref_slice %arg7[%cond3A, %dma_wait3A_207, %dma_wait3A_208] : memref<3x96x128xf32, #tpu.memory_space<vmem>> -> memref<1x96x128xf32, #tpu.memory_space<vmem>>
        %dma_wait3A_210 = tpu.memref_squeeze %dma_wait3A_209 : memref<1x96x128xf32, #tpu.memory_space<vmem>> -> memref<96x128xf32, #tpu.memory_space<vmem>>
        %dma_wait3A_211 = arith.constant 0 : i32
        %dma_wait3A_212 = arith.constant 0 : i32
        %dma_wait3A_213 = tpu.memref_slice %dma_wait3A_210[%dma_wait3A_211, %dma_wait3A_212] : memref<96x128xf32, #tpu.memory_space<vmem>> -> memref<16x128xf32, #tpu.memory_space<vmem>>
        %dma_wait3A_214 = arith.constant 9984 : i32
        %dma_wait3A_215 = arith.constant 0 : i32
        %dma_wait3A_216 = tpu.memref_slice %arg9[%dma_wait3A_214, %dma_wait3A_215] : memref<10000x128xf32, #tpu.memory_space<vmem_shared>> -> memref<16x128xf32, #tpu.memory_space<vmem_shared>>
        %dma_wait3A_217 = arith.constant 9984 : i32
        %dma_wait3A_218 = arith.constant 0 : i32
        %dma_wait3A_219 = tpu.memref_slice %arg9[%dma_wait3A_217, %dma_wait3A_218] : memref<10000x128xf32, #tpu.memory_space<vmem_shared>> -> memref<16x128xf32, #tpu.memory_space<vmem_shared>>
        %dma_wait3A_220 = arith.constant 0 : i32
        %dma_wait3A_221 = arith.constant 0 : i32
        %dma_wait3A_222 = tpu.memref_slice %arg7[%cond3A, %dma_wait3A_220, %dma_wait3A_221] : memref<3x96x128xf32, #tpu.memory_space<vmem>> -> memref<1x96x128xf32, #tpu.memory_space<vmem>>
        %dma_wait3A_223 = tpu.memref_squeeze %dma_wait3A_222 : memref<1x96x128xf32, #tpu.memory_space<vmem>> -> memref<96x128xf32, #tpu.memory_space<vmem>>
        %dma_wait3A_224 = arith.constant 0 : i32
        %dma_wait3A_225 = arith.constant 0 : i32
        %dma_wait3A_226 = tpu.memref_slice %dma_wait3A_223[%dma_wait3A_224, %dma_wait3A_225] : memref<96x128xf32, #tpu.memory_space<vmem>> -> memref<16x128xf32, #tpu.memory_space<vmem>>
        tpu.wait_dma2 semaphore(%run_scoped3A_186 : memref<!tpu.dma_semaphore, #tpu.memory_space<semaphore_mem>>) src(%dma_wait3A_226 : memref<16x128xf32, #tpu.memory_space<vmem>>) dst(%dma_wait3A_219 : memref<16x128xf32, #tpu.memory_space<vmem_shared>>)
        tpu.yield
      }) : () -> ()
    } else {
    }
    %mul3A_78 = arith.constant 16 : i32
    %mul3A_79 = arith.muli %add3A, %mul3A_78 : i32
    %add3A_80 = arith.constant 319488 : i32
    %add3A_81 = arith.addi %add3A_80, %mul3A_79 : i32
    %dma_start3A_82 = arith.constant 0 : i32
    %dma_start3A_83 = arith.constant 0 : i32
    %dma_start3A_84 = arith.constant 0 : i32
    %dma_start3A_85 = tpu.memref_slice %arg7[%dma_start3A_82, %dma_start3A_83, %dma_start3A_84] : memref<3x96x128xf32, #tpu.memory_space<vmem>> -> memref<1x16x128xf32, #tpu.memory_space<vmem>>
    %dma_start3A_86 = tpu.memref_squeeze %dma_start3A_85 : memref<1x16x128xf32, #tpu.memory_space<vmem>> -> memref<16x128xf32, #tpu.memory_space<vmem>>
    %dma_start3A_87 = arith.constant 0 : i32
    %dma_start3A_88 = tpu.memref_slice %arg2[%add3A_81, %dma_start3A_87] : memref<320000x128xf32, #tpu.memory_space<hbm>> -> memref<16x128xf32, #tpu.memory_space<hbm>>
    %dma_start3A_89 = arith.constant 0 : i32
    %dma_start3A_90 = arith.constant 0 : i32
    %dma_start3A_91 = tpu.memref_slice %arg7[%dma_start3A_82, %dma_start3A_89, %dma_start3A_90] : memref<3x96x128xf32, #tpu.memory_space<vmem>> -> memref<1x16x128xf32, #tpu.memory_space<vmem>>
    %dma_start3A_92 = tpu.memref_squeeze %dma_start3A_91 : memref<1x16x128xf32, #tpu.memory_space<vmem>> -> memref<16x128xf32, #tpu.memory_space<vmem>>
    %dma_start3A_93 = arith.constant 0 : i32
    %dma_start3A_94 = tpu.memref_slice %arg2[%add3A_81, %dma_start3A_93] : memref<320000x128xf32, #tpu.memory_space<hbm>> -> memref<16x128xf32, #tpu.memory_space<hbm>>
    tpu.enqueue_dma source(%dma_start3A_94 : memref<16x128xf32, #tpu.memory_space<hbm>>) target(%dma_start3A_92 : memref<16x128xf32, #tpu.memory_space<vmem>>) target_semaphore(%arg11 : memref<!tpu.dma_semaphore, #tpu.memory_space<semaphore_mem>>)
    %barrier3A = arith.constant 0 : index
    tpu.barrier barrier_id(%barrier3A)
    %dma_wait3A = arith.constant 0 : i32
    %dma_wait3A_95 = tpu.memref_slice %arg4[%add3A, %dma_wait3A] : memref<32x16xi32, #tpu.memory_space<hbm>> -> memref<1x16xi32, #tpu.memory_space<hbm>>
    %dma_wait3A_96 = tpu.memref_squeeze %dma_wait3A_95 : memref<1x16xi32, #tpu.memory_space<hbm>> -> memref<16xi32, #tpu.memory_space<hbm>>
    %dma_wait3A_97 = arith.constant 0 : i32
    %dma_wait3A_98 = tpu.memref_slice %arg4[%add3A, %dma_wait3A_97] : memref<32x16xi32, #tpu.memory_space<hbm>> -> memref<1x16xi32, #tpu.memory_space<hbm>>
    %dma_wait3A_99 = tpu.memref_squeeze %dma_wait3A_98 : memref<1x16xi32, #tpu.memory_space<hbm>> -> memref<16xi32, #tpu.memory_space<hbm>>
    tpu.wait_dma2 semaphore(%arg11 : memref<!tpu.dma_semaphore, #tpu.memory_space<semaphore_mem>>) src(%dma_wait3A_99 : memref<16xi32, #tpu.memory_space<hbm>>) dst(%arg8 : memref<16xi32, #tpu.memory_space<vmem>>)
    %dma_wait3A_100 = arith.constant 0 : i32
    %dma_wait3A_101 = arith.constant 0 : i32
    %dma_wait3A_102 = arith.constant 0 : i32
    %dma_wait3A_103 = tpu.memref_slice %arg7[%dma_wait3A_100, %dma_wait3A_101, %dma_wait3A_102] : memref<3x96x128xf32, #tpu.memory_space<vmem>> -> memref<1x16x128xf32, #tpu.memory_space<vmem>>
    %dma_wait3A_104 = tpu.memref_squeeze %dma_wait3A_103 : memref<1x16x128xf32, #tpu.memory_space<vmem>> -> memref<16x128xf32, #tpu.memory_space<vmem>>
    %dma_wait3A_105 = arith.constant 0 : i32
    %dma_wait3A_106 = tpu.memref_slice %arg2[%add3A_81, %dma_wait3A_105] : memref<320000x128xf32, #tpu.memory_space<hbm>> -> memref<16x128xf32, #tpu.memory_space<hbm>>
    %dma_wait3A_107 = arith.constant 0 : i32
    %dma_wait3A_108 = arith.constant 0 : i32
    %dma_wait3A_109 = tpu.memref_slice %arg7[%dma_wait3A_100, %dma_wait3A_107, %dma_wait3A_108] : memref<3x96x128xf32, #tpu.memory_space<vmem>> -> memref<1x16x128xf32, #tpu.memory_space<vmem>>
    %dma_wait3A_110 = tpu.memref_squeeze %dma_wait3A_109 : memref<1x16x128xf32, #tpu.memory_space<vmem>> -> memref<16x128xf32, #tpu.memory_space<vmem>>
    %dma_wait3A_111 = arith.constant 0 : i32
    %dma_wait3A_112 = tpu.memref_slice %arg2[%add3A_81, %dma_wait3A_111] : memref<320000x128xf32, #tpu.memory_space<hbm>> -> memref<16x128xf32, #tpu.memory_space<hbm>>
    tpu.wait_dma2 semaphore(%arg11 : memref<!tpu.dma_semaphore, #tpu.memory_space<semaphore_mem>>) src(%dma_wait3A_112 : memref<16x128xf32, #tpu.memory_space<hbm>>) dst(%dma_wait3A_110 : memref<16x128xf32, #tpu.memory_space<vmem>>)
    %run_scoped3A_113 = arith.constant 0 : i32
    "tpu.region"() ({
      %run_scoped3A_186 = tpu.sem_alloc : memref<!tpu.dma_semaphore, #tpu.memory_space<semaphore_mem>>
      %dma_start3A_187 = arith.constant 0 : i32
      %dma_start3A_188 = arith.constant 0 : i32
      %dma_start3A_189 = tpu.memref_slice %arg7[%run_scoped3A_113, %dma_start3A_187, %dma_start3A_188] : memref<3x96x128xf32, #tpu.memory_space<vmem>> -> memref<1x16x128xf32, #tpu.memory_space<vmem>>
      %dma_start3A_190 = tpu.memref_squeeze %dma_start3A_189 : memref<1x16x128xf32, #tpu.memory_space<vmem>> -> memref<16x128xf32, #tpu.memory_space<vmem>>
      %dma_start3A_191 = arith.constant 0 : i32
      %dma_start3A_192 = arith.constant 0 : i32
      %dma_start3A_193 = tpu.memref_slice %arg9[%dma_start3A_191, %dma_start3A_192] : memref<10000x128xf32, #tpu.memory_space<vmem_shared>> -> memref<10000x128xf32, #tpu.memory_space<vmem_shared>>
      tpu.enqueue_indirect_dma source(%dma_start3A_190 : memref<16x128xf32, #tpu.memory_space<vmem>>) target(%dma_start3A_193 : memref<10000x128xf32, #tpu.memory_space<vmem_shared>>) offsets(%arg8 : memref<16xi32, #tpu.memory_space<vmem>>) semaphore(%run_scoped3A_186 : memref<!tpu.dma_semaphore, #tpu.memory_space<semaphore_mem>>) {add = true}
      %dma_wait3A_194 = arith.constant 0 : i32
      %dma_wait3A_195 = arith.constant 0 : i32
      %dma_wait3A_196 = tpu.memref_slice %arg7[%run_scoped3A_113, %dma_wait3A_194, %dma_wait3A_195] : memref<3x96x128xf32, #tpu.memory_space<vmem>> -> memref<1x16x128xf32, #tpu.memory_space<vmem>>
      %dma_wait3A_197 = tpu.memref_squeeze %dma_wait3A_196 : memref<1x16x128xf32, #tpu.memory_space<vmem>> -> memref<16x128xf32, #tpu.memory_space<vmem>>
      %dma_wait3A_198 = arith.constant 0 : i32
      %dma_wait3A_199 = arith.constant 0 : i32
      %dma_wait3A_200 = tpu.memref_slice %arg9[%dma_wait3A_198, %dma_wait3A_199] : memref<10000x128xf32, #tpu.memory_space<vmem_shared>> -> memref<10000x128xf32, #tpu.memory_space<vmem_shared>>
      tpu.wait_indirect_dma semaphore(%run_scoped3A_186 : memref<!tpu.dma_semaphore, #tpu.memory_space<semaphore_mem>>) src(%dma_wait3A_197 : memref<16x128xf32, #tpu.memory_space<vmem>>) dst(%dma_wait3A_200 : memref<10000x128xf32, #tpu.memory_space<vmem_shared>>)
      tpu.yield
    }) : () -> ()
    %dma_wait3A_114 = arith.constant 0 : i32
    %dma_wait3A_115 = arith.constant 0 : i32
    %dma_wait3A_116 = tpu.memref_slice %arg3[%add3A, %dma_wait3A_114, %dma_wait3A_115] : memref<32x104x96xi32, #tpu.memory_space<hbm>> -> memref<1x104x96xi32, #tpu.memory_space<hbm>>
    %dma_wait3A_117 = tpu.memref_squeeze %dma_wait3A_116 : memref<1x104x96xi32, #tpu.memory_space<hbm>> -> memref<104x96xi32, #tpu.memory_space<hbm>>
    %dma_wait3A_118 = arith.constant 0 : i32
    %dma_wait3A_119 = arith.constant 0 : i32
    %dma_wait3A_120 = tpu.memref_slice %arg3[%add3A, %dma_wait3A_118, %dma_wait3A_119] : memref<32x104x96xi32, #tpu.memory_space<hbm>> -> memref<1x104x96xi32, #tpu.memory_space<hbm>>
    %dma_wait3A_121 = tpu.memref_squeeze %dma_wait3A_120 : memref<1x104x96xi32, #tpu.memory_space<hbm>> -> memref<104x96xi32, #tpu.memory_space<hbm>>
    tpu.wait_dma2 semaphore(%arg10 : memref<!tpu.dma_semaphore, #tpu.memory_space<semaphore_mem>>) src(%dma_wait3A_121 : memref<104x96xi32, #tpu.memory_space<hbm>>) dst(%arg6 : memref<104x96xi32, #tpu.memory_space<vmem>>)
    %add3A_122 = arith.constant 0 : i32
    %add3A_123 = arith.addi %mul3A_2, %add3A_122 : i32
    %dma_start3A_124 = arith.constant 0 : i32
    %dma_start3A_125 = arith.constant 0 : i32
    %dma_start3A_126 = arith.constant 0 : i32
    %dma_start3A_127 = tpu.memref_slice %arg7[%dma_start3A_124, %dma_start3A_125, %dma_start3A_126] : memref<3x96x128xf32, #tpu.memory_space<vmem>> -> memref<1x96x128xf32, #tpu.memory_space<vmem>>
    %dma_start3A_128 = tpu.memref_squeeze %dma_start3A_127 : memref<1x96x128xf32, #tpu.memory_space<vmem>> -> memref<96x128xf32, #tpu.memory_space<vmem>>
    %dma_start3A_129 = arith.constant 0 : i32
    %dma_start3A_130 = tpu.memref_slice %arg2[%add3A_123, %dma_start3A_129] : memref<320000x128xf32, #tpu.memory_space<hbm>> -> memref<96x128xf32, #tpu.memory_space<hbm>>
    %dma_start3A_131 = arith.constant 0 : i32
    %dma_start3A_132 = arith.constant 0 : i32
    %dma_start3A_133 = tpu.memref_slice %arg7[%dma_start3A_124, %dma_start3A_131, %dma_start3A_132] : memref<3x96x128xf32, #tpu.memory_space<vmem>> -> memref<1x96x128xf32, #tpu.memory_space<vmem>>
    %dma_start3A_134 = tpu.memref_squeeze %dma_start3A_133 : memref<1x96x128xf32, #tpu.memory_space<vmem>> -> memref<96x128xf32, #tpu.memory_space<vmem>>
    %dma_start3A_135 = arith.constant 0 : i32
    %dma_start3A_136 = tpu.memref_slice %arg2[%add3A_123, %dma_start3A_135] : memref<320000x128xf32, #tpu.memory_space<hbm>> -> memref<96x128xf32, #tpu.memory_space<hbm>>
    tpu.enqueue_dma source(%dma_start3A_136 : memref<96x128xf32, #tpu.memory_space<hbm>>) target(%dma_start3A_134 : memref<96x128xf32, #tpu.memory_space<vmem>>) target_semaphore(%arg12 : memref<!tpu.dma_semaphore, #tpu.memory_space<semaphore_mem>>)
    %scan3A_137 = arith.constant 0 : i32
    %scan3A_138 = arith.constant 0 : i32
    %scan3A_139 = arith.constant 34 : i32
    %scan3A_140 = arith.addi %scan3A_138, %scan3A_139 : i32
    %scan3A_141 = arith.constant 1 : i32
    scf.for %scan3A_186 = %scan3A_138 to %scan3A_140 step %scan3A_141  : i32 {
      %mul3A_187 = arith.constant 3 : i32
      %mul3A_188 = arith.muli %scan3A_186, %mul3A_187 : i32
      %add3A_189 = arith.constant 0 : i32
      %add3A_190 = arith.addi %mul3A_188, %add3A_189 : i32
      %mul3A_191 = arith.constant 96 : i32
      %mul3A_192 = arith.muli %add3A_190, %mul3A_191 : i32
      %add3A_193 = arith.addi %mul3A_2, %mul3A_192 : i32
      %dma_wait3A_194 = arith.constant 0 : i32
      %dma_wait3A_195 = arith.constant 0 : i32
      %dma_wait3A_196 = arith.constant 0 : i32
      %dma_wait3A_197 = tpu.memref_slice %arg7[%dma_wait3A_194, %dma_wait3A_195, %dma_wait3A_196] : memref<3x96x128xf32, #tpu.memory_space<vmem>> -> memref<1x96x128xf32, #tpu.memory_space<vmem>>
      %dma_wait3A_198 = tpu.memref_squeeze %dma_wait3A_197 : memref<1x96x128xf32, #tpu.memory_space<vmem>> -> memref<96x128xf32, #tpu.memory_space<vmem>>
      %dma_wait3A_199 = arith.constant 0 : i32
      %dma_wait3A_200 = tpu.memref_slice %arg2[%add3A_193, %dma_wait3A_199] : memref<320000x128xf32, #tpu.memory_space<hbm>> -> memref<96x128xf32, #tpu.memory_space<hbm>>
      %dma_wait3A_201 = arith.constant 0 : i32
      %dma_wait3A_202 = arith.constant 0 : i32
      %dma_wait3A_203 = tpu.memref_slice %arg7[%dma_wait3A_194, %dma_wait3A_201, %dma_wait3A_202] : memref<3x96x128xf32, #tpu.memory_space<vmem>> -> memref<1x96x128xf32, #tpu.memory_space<vmem>>
      %dma_wait3A_204 = tpu.memref_squeeze %dma_wait3A_203 : memref<1x96x128xf32, #tpu.memory_space<vmem>> -> memref<96x128xf32, #tpu.memory_space<vmem>>
      %dma_wait3A_205 = arith.constant 0 : i32
      %dma_wait3A_206 = tpu.memref_slice %arg2[%add3A_193, %dma_wait3A_205] : memref<320000x128xf32, #tpu.memory_space<hbm>> -> memref<96x128xf32, #tpu.memory_space<hbm>>
      tpu.wait_dma2 semaphore(%arg12 : memref<!tpu.dma_semaphore, #tpu.memory_space<semaphore_mem>>) src(%dma_wait3A_206 : memref<96x128xf32, #tpu.memory_space<hbm>>) dst(%dma_wait3A_204 : memref<96x128xf32, #tpu.memory_space<vmem>>)
      %run_scoped3A_207 = arith.constant 0 : i32
      "tpu.region"() ({
        %run_scoped3A_270 = tpu.sem_alloc : memref<!tpu.dma_semaphore, #tpu.memory_space<semaphore_mem>>
        %dma_start3A_271 = arith.constant 0 : i32
        %dma_start3A_272 = arith.constant 0 : i32
        %dma_start3A_273 = tpu.memref_slice %arg7[%run_scoped3A_207, %dma_start3A_271, %dma_start3A_272] : memref<3x96x128xf32, #tpu.memory_space<vmem>> -> memref<1x96x128xf32, #tpu.memory_space<vmem>>
        %dma_start3A_274 = tpu.memref_squeeze %dma_start3A_273 : memref<1x96x128xf32, #tpu.memory_space<vmem>> -> memref<96x128xf32, #tpu.memory_space<vmem>>
        %dma_start3A_275 = arith.constant 0 : i32
        %dma_start3A_276 = tpu.memref_slice %arg6[%add3A_190, %dma_start3A_275] : memref<104x96xi32, #tpu.memory_space<vmem>> -> memref<1x96xi32, #tpu.memory_space<vmem>>
        %dma_start3A_277 = tpu.memref_squeeze %dma_start3A_276 : memref<1x96xi32, #tpu.memory_space<vmem>> -> memref<96xi32, #tpu.memory_space<vmem>>
        %dma_start3A_278 = arith.constant 0 : i32
        %dma_start3A_279 = arith.constant 0 : i32
        %dma_start3A_280 = tpu.memref_slice %arg9[%dma_start3A_278, %dma_start3A_279] : memref<10000x128xf32, #tpu.memory_space<vmem_shared>> -> memref<10000x128xf32, #tpu.memory_space<vmem_shared>>
        tpu.enqueue_indirect_dma source(%dma_start3A_274 : memref<96x128xf32, #tpu.memory_space<vmem>>) target(%dma_start3A_280 : memref<10000x128xf32, #tpu.memory_space<vmem_shared>>) offsets(%dma_start3A_277 : memref<96xi32, #tpu.memory_space<vmem>>) semaphore(%run_scoped3A_270 : memref<!tpu.dma_semaphore, #tpu.memory_space<semaphore_mem>>) {add = true}
        %dma_wait3A_281 = arith.constant 0 : i32
        %dma_wait3A_282 = arith.constant 0 : i32
        %dma_wait3A_283 = tpu.memref_slice %arg7[%run_scoped3A_207, %dma_wait3A_281, %dma_wait3A_282] : memref<3x96x128xf32, #tpu.memory_space<vmem>> -> memref<1x96x128xf32, #tpu.memory_space<vmem>>
        %dma_wait3A_284 = tpu.memref_squeeze %dma_wait3A_283 : memref<1x96x128xf32, #tpu.memory_space<vmem>> -> memref<96x128xf32, #tpu.memory_space<vmem>>
        %dma_wait3A_285 = arith.constant 0 : i32
        %dma_wait3A_286 = tpu.memref_slice %arg6[%add3A_190, %dma_wait3A_285] : memref<104x96xi32, #tpu.memory_space<vmem>> -> memref<1x96xi32, #tpu.memory_space<vmem>>
        %dma_wait3A_287 = tpu.memref_squeeze %dma_wait3A_286 : memref<1x96xi32, #tpu.memory_space<vmem>> -> memref<96xi32, #tpu.memory_space<vmem>>
        %dma_wait3A_288 = arith.constant 0 : i32
        %dma_wait3A_289 = arith.constant 0 : i32
        %dma_wait3A_290 = tpu.memref_slice %arg9[%dma_wait3A_288, %dma_wait3A_289] : memref<10000x128xf32, #tpu.memory_space<vmem_shared>> -> memref<10000x128xf32, #tpu.memory_space<vmem_shared>>
        tpu.wait_indirect_dma semaphore(%run_scoped3A_270 : memref<!tpu.dma_semaphore, #tpu.memory_space<semaphore_mem>>) src(%dma_wait3A_284 : memref<96x128xf32, #tpu.memory_space<vmem>>) dst(%dma_wait3A_290 : memref<10000x128xf32, #tpu.memory_space<vmem_shared>>)
        tpu.yield
      }) : () -> ()
      %add3A_208 = arith.constant 3 : i32
      %add3A_209 = arith.addi %add3A_190, %add3A_208 : i32
      %lt3A = arith.constant 104 : i32
      %lt3A_210 = arith.cmpi slt, %add3A_209, %lt3A : i32
      %convert_element_type3A_211 = arith.extui %lt3A_210 : i1 to i32
      %cond3A_212 = arith.constant 0 : i32
      %cond3A_213 = arith.cmpi ne, %convert_element_type3A_211, %cond3A_212 : i32
      scf.if %cond3A_213 {
        %add3A_270 = arith.constant 3 : i32
        %add3A_271 = arith.addi %add3A_190, %add3A_270 : i32
        %mul3A_272 = arith.constant 96 : i32
        %mul3A_273 = arith.muli %add3A_271, %mul3A_272 : i32
        %add3A_274 = arith.addi %mul3A_2, %mul3A_273 : i32
        %dma_start3A_275 = arith.constant 0 : i32
        %dma_start3A_276 = arith.constant 0 : i32
        %dma_start3A_277 = arith.constant 0 : i32
        %dma_start3A_278 = tpu.memref_slice %arg7[%dma_start3A_275, %dma_start3A_276, %dma_start3A_277] : memref<3x96x128xf32, #tpu.memory_space<vmem>> -> memref<1x96x128xf32, #tpu.memory_space<vmem>>
        %dma_start3A_279 = tpu.memref_squeeze %dma_start3A_278 : memref<1x96x128xf32, #tpu.memory_space<vmem>> -> memref<96x128xf32, #tpu.memory_space<vmem>>
        %dma_start3A_280 = arith.constant 0 : i32
        %dma_start3A_281 = tpu.memref_slice %arg2[%add3A_274, %dma_start3A_280] : memref<320000x128xf32, #tpu.memory_space<hbm>> -> memref<96x128xf32, #tpu.memory_space<hbm>>
        %dma_start3A_282 = arith.constant 0 : i32
        %dma_start3A_283 = arith.constant 0 : i32
        %dma_start3A_284 = tpu.memref_slice %arg7[%dma_start3A_275, %dma_start3A_282, %dma_start3A_283] : memref<3x96x128xf32, #tpu.memory_space<vmem>> -> memref<1x96x128xf32, #tpu.memory_space<vmem>>
        %dma_start3A_285 = tpu.memref_squeeze %dma_start3A_284 : memref<1x96x128xf32, #tpu.memory_space<vmem>> -> memref<96x128xf32, #tpu.memory_space<vmem>>
        %dma_start3A_286 = arith.constant 0 : i32
        %dma_start3A_287 = tpu.memref_slice %arg2[%add3A_274, %dma_start3A_286] : memref<320000x128xf32, #tpu.memory_space<hbm>> -> memref<96x128xf32, #tpu.memory_space<hbm>>
        tpu.enqueue_dma source(%dma_start3A_287 : memref<96x128xf32, #tpu.memory_space<hbm>>) target(%dma_start3A_285 : memref<96x128xf32, #tpu.memory_space<vmem>>) target_semaphore(%arg12 : memref<!tpu.dma_semaphore, #tpu.memory_space<semaphore_mem>>)
      } else {
      }
      %mul3A_214 = arith.constant 3 : i32
      %mul3A_215 = arith.muli %scan3A_186, %mul3A_214 : i32
      %add3A_216 = arith.constant 1 : i32
      %add3A_217 = arith.addi %mul3A_215, %add3A_216 : i32
      %mul3A_218 = arith.constant 96 : i32
      %mul3A_219 = arith.muli %add3A_217, %mul3A_218 : i32
      %add3A_220 = arith.addi %mul3A_2, %mul3A_219 : i32
      %dma_wait3A_221 = arith.constant 1 : i32
      %dma_wait3A_222 = arith.constant 0 : i32
      %dma_wait3A_223 = arith.constant 0 : i32
      %dma_wait3A_224 = tpu.memref_slice %arg7[%dma_wait3A_221, %dma_wait3A_222, %dma_wait3A_223] : memref<3x96x128xf32, #tpu.memory_space<vmem>> -> memref<1x96x128xf32, #tpu.memory_space<vmem>>
      %dma_wait3A_225 = tpu.memref_squeeze %dma_wait3A_224 : memref<1x96x128xf32, #tpu.memory_space<vmem>> -> memref<96x128xf32, #tpu.memory_space<vmem>>
      %dma_wait3A_226 = arith.constant 0 : i32
      %dma_wait3A_227 = tpu.memref_slice %arg2[%add3A_220, %dma_wait3A_226] : memref<320000x128xf32, #tpu.memory_space<hbm>> -> memref<96x128xf32, #tpu.memory_space<hbm>>
      %dma_wait3A_228 = arith.constant 0 : i32
      %dma_wait3A_229 = arith.constant 0 : i32
      %dma_wait3A_230 = tpu.memref_slice %arg7[%dma_wait3A_221, %dma_wait3A_228, %dma_wait3A_229] : memref<3x96x128xf32, #tpu.memory_space<vmem>> -> memref<1x96x128xf32, #tpu.memory_space<vmem>>
      %dma_wait3A_231 = tpu.memref_squeeze %dma_wait3A_230 : memref<1x96x128xf32, #tpu.memory_space<vmem>> -> memref<96x128xf32, #tpu.memory_space<vmem>>
      %dma_wait3A_232 = arith.constant 0 : i32
      %dma_wait3A_233 = tpu.memref_slice %arg2[%add3A_220, %dma_wait3A_232] : memref<320000x128xf32, #tpu.memory_space<hbm>> -> memref<96x128xf32, #tpu.memory_space<hbm>>
      tpu.wait_dma2 semaphore(%arg13 : memref<!tpu.dma_semaphore, #tpu.memory_space<semaphore_mem>>) src(%dma_wait3A_233 : memref<96x128xf32, #tpu.memory_space<hbm>>) dst(%dma_wait3A_231 : memref<96x128xf32, #tpu.memory_space<vmem>>)
      %run_scoped3A_234 = arith.constant 1 : i32
      "tpu.region"() ({
        %run_scoped3A_270 = tpu.sem_alloc : memref<!tpu.dma_semaphore, #tpu.memory_space<semaphore_mem>>
        %dma_start3A_271 = arith.constant 0 : i32
        %dma_start3A_272 = arith.constant 0 : i32
        %dma_start3A_273 = tpu.memref_slice %arg7[%run_scoped3A_234, %dma_start3A_271, %dma_start3A_272] : memref<3x96x128xf32, #tpu.memory_space<vmem>> -> memref<1x96x128xf32, #tpu.memory_space<vmem>>
        %dma_start3A_274 = tpu.memref_squeeze %dma_start3A_273 : memref<1x96x128xf32, #tpu.memory_space<vmem>> -> memref<96x128xf32, #tpu.memory_space<vmem>>
        %dma_start3A_275 = arith.constant 0 : i32
        %dma_start3A_276 = tpu.memref_slice %arg6[%add3A_217, %dma_start3A_275] : memref<104x96xi32, #tpu.memory_space<vmem>> -> memref<1x96xi32, #tpu.memory_space<vmem>>
        %dma_start3A_277 = tpu.memref_squeeze %dma_start3A_276 : memref<1x96xi32, #tpu.memory_space<vmem>> -> memref<96xi32, #tpu.memory_space<vmem>>
        %dma_start3A_278 = arith.constant 0 : i32
        %dma_start3A_279 = arith.constant 0 : i32
        %dma_start3A_280 = tpu.memref_slice %arg9[%dma_start3A_278, %dma_start3A_279] : memref<10000x128xf32, #tpu.memory_space<vmem_shared>> -> memref<10000x128xf32, #tpu.memory_space<vmem_shared>>
        tpu.enqueue_indirect_dma source(%dma_start3A_274 : memref<96x128xf32, #tpu.memory_space<vmem>>) target(%dma_start3A_280 : memref<10000x128xf32, #tpu.memory_space<vmem_shared>>) offsets(%dma_start3A_277 : memref<96xi32, #tpu.memory_space<vmem>>) semaphore(%run_scoped3A_270 : memref<!tpu.dma_semaphore, #tpu.memory_space<semaphore_mem>>) {add = true}
        %dma_wait3A_281 = arith.constant 0 : i32
        %dma_wait3A_282 = arith.constant 0 : i32
        %dma_wait3A_283 = tpu.memref_slice %arg7[%run_scoped3A_234, %dma_wait3A_281, %dma_wait3A_282] : memref<3x96x128xf32, #tpu.memory_space<vmem>> -> memref<1x96x128xf32, #tpu.memory_space<vmem>>
        %dma_wait3A_284 = tpu.memref_squeeze %dma_wait3A_283 : memref<1x96x128xf32, #tpu.memory_space<vmem>> -> memref<96x128xf32, #tpu.memory_space<vmem>>
        %dma_wait3A_285 = arith.constant 0 : i32
        %dma_wait3A_286 = tpu.memref_slice %arg6[%add3A_217, %dma_wait3A_285] : memref<104x96xi32, #tpu.memory_space<vmem>> -> memref<1x96xi32, #tpu.memory_space<vmem>>
        %dma_wait3A_287 = tpu.memref_squeeze %dma_wait3A_286 : memref<1x96xi32, #tpu.memory_space<vmem>> -> memref<96xi32, #tpu.memory_space<vmem>>
        %dma_wait3A_288 = arith.constant 0 : i32
        %dma_wait3A_289 = arith.constant 0 : i32
        %dma_wait3A_290 = tpu.memref_slice %arg9[%dma_wait3A_288, %dma_wait3A_289] : memref<10000x128xf32, #tpu.memory_space<vmem_shared>> -> memref<10000x128xf32, #tpu.memory_space<vmem_shared>>
        tpu.wait_indirect_dma semaphore(%run_scoped3A_270 : memref<!tpu.dma_semaphore, #tpu.memory_space<semaphore_mem>>) src(%dma_wait3A_284 : memref<96x128xf32, #tpu.memory_space<vmem>>) dst(%dma_wait3A_290 : memref<10000x128xf32, #tpu.memory_space<vmem_shared>>)
        tpu.yield
      }) : () -> ()
      %add3A_235 = arith.constant 3 : i32
      %add3A_236 = arith.addi %add3A_217, %add3A_235 : i32
      %lt3A_237 = arith.constant 104 : i32
      %lt3A_238 = arith.cmpi slt, %add3A_236, %lt3A_237 : i32
      %convert_element_type3A_239 = arith.extui %lt3A_238 : i1 to i32
      %cond3A_240 = arith.constant 0 : i32
      %cond3A_241 = arith.cmpi ne, %convert_element_type3A_239, %cond3A_240 : i32
      scf.if %cond3A_241 {
        %add3A_270 = arith.constant 3 : i32
        %add3A_271 = arith.addi %add3A_217, %add3A_270 : i32
        %mul3A_272 = arith.constant 96 : i32
        %mul3A_273 = arith.muli %add3A_271, %mul3A_272 : i32
        %add3A_274 = arith.addi %mul3A_2, %mul3A_273 : i32
        %dma_start3A_275 = arith.constant 1 : i32
        %dma_start3A_276 = arith.constant 0 : i32
        %dma_start3A_277 = arith.constant 0 : i32
        %dma_start3A_278 = tpu.memref_slice %arg7[%dma_start3A_275, %dma_start3A_276, %dma_start3A_277] : memref<3x96x128xf32, #tpu.memory_space<vmem>> -> memref<1x96x128xf32, #tpu.memory_space<vmem>>
        %dma_start3A_279 = tpu.memref_squeeze %dma_start3A_278 : memref<1x96x128xf32, #tpu.memory_space<vmem>> -> memref<96x128xf32, #tpu.memory_space<vmem>>
        %dma_start3A_280 = arith.constant 0 : i32
        %dma_start3A_281 = tpu.memref_slice %arg2[%add3A_274, %dma_start3A_280] : memref<320000x128xf32, #tpu.memory_space<hbm>> -> memref<96x128xf32, #tpu.memory_space<hbm>>
        %dma_start3A_282 = arith.constant 0 : i32
        %dma_start3A_283 = arith.constant 0 : i32
        %dma_start3A_284 = tpu.memref_slice %arg7[%dma_start3A_275, %dma_start3A_282, %dma_start3A_283] : memref<3x96x128xf32, #tpu.memory_space<vmem>> -> memref<1x96x128xf32, #tpu.memory_space<vmem>>
        %dma_start3A_285 = tpu.memref_squeeze %dma_start3A_284 : memref<1x96x128xf32, #tpu.memory_space<vmem>> -> memref<96x128xf32, #tpu.memory_space<vmem>>
        %dma_start3A_286 = arith.constant 0 : i32
        %dma_start3A_287 = tpu.memref_slice %arg2[%add3A_274, %dma_start3A_286] : memref<320000x128xf32, #tpu.memory_space<hbm>> -> memref<96x128xf32, #tpu.memory_space<hbm>>
        tpu.enqueue_dma source(%dma_start3A_287 : memref<96x128xf32, #tpu.memory_space<hbm>>) target(%dma_start3A_285 : memref<96x128xf32, #tpu.memory_space<vmem>>) target_semaphore(%arg13 : memref<!tpu.dma_semaphore, #tpu.memory_space<semaphore_mem>>)
      } else {
      }
      %mul3A_242 = arith.constant 3 : i32
      %mul3A_243 = arith.muli %scan3A_186, %mul3A_242 : i32
      %add3A_244 = arith.constant 2 : i32
      %add3A_245 = arith.addi %mul3A_243, %add3A_244 : i32
      %mul3A_246 = arith.constant 96 : i32
      %mul3A_247 = arith.muli %add3A_245, %mul3A_246 : i32
      %add3A_248 = arith.addi %mul3A_2, %mul3A_247 : i32
      %dma_wait3A_249 = arith.constant 2 : i32
      %dma_wait3A_250 = arith.constant 0 : i32
      %dma_wait3A_251 = arith.constant 0 : i32
      %dma_wait3A_252 = tpu.memref_slice %arg7[%dma_wait3A_249, %dma_wait3A_250, %dma_wait3A_251] : memref<3x96x128xf32, #tpu.memory_space<vmem>> -> memref<1x96x128xf32, #tpu.memory_space<vmem>>
      %dma_wait3A_253 = tpu.memref_squeeze %dma_wait3A_252 : memref<1x96x128xf32, #tpu.memory_space<vmem>> -> memref<96x128xf32, #tpu.memory_space<vmem>>
      %dma_wait3A_254 = arith.constant 0 : i32
      %dma_wait3A_255 = tpu.memref_slice %arg2[%add3A_248, %dma_wait3A_254] : memref<320000x128xf32, #tpu.memory_space<hbm>> -> memref<96x128xf32, #tpu.memory_space<hbm>>
      %dma_wait3A_256 = arith.constant 0 : i32
      %dma_wait3A_257 = arith.constant 0 : i32
      %dma_wait3A_258 = tpu.memref_slice %arg7[%dma_wait3A_249, %dma_wait3A_256, %dma_wait3A_257] : memref<3x96x128xf32, #tpu.memory_space<vmem>> -> memref<1x96x128xf32, #tpu.memory_space<vmem>>
      %dma_wait3A_259 = tpu.memref_squeeze %dma_wait3A_258 : memref<1x96x128xf32, #tpu.memory_space<vmem>> -> memref<96x128xf32, #tpu.memory_space<vmem>>
      %dma_wait3A_260 = arith.constant 0 : i32
      %dma_wait3A_261 = tpu.memref_slice %arg2[%add3A_248, %dma_wait3A_260] : memref<320000x128xf32, #tpu.memory_space<hbm>> -> memref<96x128xf32, #tpu.memory_space<hbm>>
      tpu.wait_dma2 semaphore(%arg14 : memref<!tpu.dma_semaphore, #tpu.memory_space<semaphore_mem>>) src(%dma_wait3A_261 : memref<96x128xf32, #tpu.memory_space<hbm>>) dst(%dma_wait3A_259 : memref<96x128xf32, #tpu.memory_space<vmem>>)
      %run_scoped3A_262 = arith.constant 2 : i32
      "tpu.region"() ({
        %run_scoped3A_270 = tpu.sem_alloc : memref<!tpu.dma_semaphore, #tpu.memory_space<semaphore_mem>>
        %dma_start3A_271 = arith.constant 0 : i32
        %dma_start3A_272 = arith.constant 0 : i32
        %dma_start3A_273 = tpu.memref_slice %arg7[%run_scoped3A_262, %dma_start3A_271, %dma_start3A_272] : memref<3x96x128xf32, #tpu.memory_space<vmem>> -> memref<1x96x128xf32, #tpu.memory_space<vmem>>
        %dma_start3A_274 = tpu.memref_squeeze %dma_start3A_273 : memref<1x96x128xf32, #tpu.memory_space<vmem>> -> memref<96x128xf32, #tpu.memory_space<vmem>>
        %dma_start3A_275 = arith.constant 0 : i32
        %dma_start3A_276 = tpu.memref_slice %arg6[%add3A_245, %dma_start3A_275] : memref<104x96xi32, #tpu.memory_space<vmem>> -> memref<1x96xi32, #tpu.memory_space<vmem>>
        %dma_start3A_277 = tpu.memref_squeeze %dma_start3A_276 : memref<1x96xi32, #tpu.memory_space<vmem>> -> memref<96xi32, #tpu.memory_space<vmem>>
        %dma_start3A_278 = arith.constant 0 : i32
        %dma_start3A_279 = arith.constant 0 : i32
        %dma_start3A_280 = tpu.memref_slice %arg9[%dma_start3A_278, %dma_start3A_279] : memref<10000x128xf32, #tpu.memory_space<vmem_shared>> -> memref<10000x128xf32, #tpu.memory_space<vmem_shared>>
        tpu.enqueue_indirect_dma source(%dma_start3A_274 : memref<96x128xf32, #tpu.memory_space<vmem>>) target(%dma_start3A_280 : memref<10000x128xf32, #tpu.memory_space<vmem_shared>>) offsets(%dma_start3A_277 : memref<96xi32, #tpu.memory_space<vmem>>) semaphore(%run_scoped3A_270 : memref<!tpu.dma_semaphore, #tpu.memory_space<semaphore_mem>>) {add = true}
        %dma_wait3A_281 = arith.constant 0 : i32
        %dma_wait3A_282 = arith.constant 0 : i32
        %dma_wait3A_283 = tpu.memref_slice %arg7[%run_scoped3A_262, %dma_wait3A_281, %dma_wait3A_282] : memref<3x96x128xf32, #tpu.memory_space<vmem>> -> memref<1x96x128xf32, #tpu.memory_space<vmem>>
        %dma_wait3A_284 = tpu.memref_squeeze %dma_wait3A_283 : memref<1x96x128xf32, #tpu.memory_space<vmem>> -> memref<96x128xf32, #tpu.memory_space<vmem>>
        %dma_wait3A_285 = arith.constant 0 : i32
        %dma_wait3A_286 = tpu.memref_slice %arg6[%add3A_245, %dma_wait3A_285] : memref<104x96xi32, #tpu.memory_space<vmem>> -> memref<1x96xi32, #tpu.memory_space<vmem>>
        %dma_wait3A_287 = tpu.memref_squeeze %dma_wait3A_286 : memref<1x96xi32, #tpu.memory_space<vmem>> -> memref<96xi32, #tpu.memory_space<vmem>>
        %dma_wait3A_288 = arith.constant 0 : i32
        %dma_wait3A_289 = arith.constant 0 : i32
        %dma_wait3A_290 = tpu.memref_slice %arg9[%dma_wait3A_288, %dma_wait3A_289] : memref<10000x128xf32, #tpu.memory_space<vmem_shared>> -> memref<10000x128xf32, #tpu.memory_space<vmem_shared>>
        tpu.wait_indirect_dma semaphore(%run_scoped3A_270 : memref<!tpu.dma_semaphore, #tpu.memory_space<semaphore_mem>>) src(%dma_wait3A_284 : memref<96x128xf32, #tpu.memory_space<vmem>>) dst(%dma_wait3A_290 : memref<10000x128xf32, #tpu.memory_space<vmem_shared>>)
        tpu.yield
      }) : () -> ()
      %add3A_263 = arith.constant 3 : i32
      %add3A_264 = arith.addi %add3A_245, %add3A_263 : i32
      %lt3A_265 = arith.constant 104 : i32
      %lt3A_266 = arith.cmpi slt, %add3A_264, %lt3A_265 : i32
      %convert_element_type3A_267 = arith.extui %lt3A_266 : i1 to i32
      %cond3A_268 = arith.constant 0 : i32
      %cond3A_269 = arith.cmpi ne, %convert_element_type3A_267, %cond3A_268 : i32
      scf.if %cond3A_269 {
        %add3A_270 = arith.constant 3 : i32
        %add3A_271 = arith.addi %add3A_245, %add3A_270 : i32
        %mul3A_272 = arith.constant 96 : i32
        %mul3A_273 = arith.muli %add3A_271, %mul3A_272 : i32
        %add3A_274 = arith.addi %mul3A_2, %mul3A_273 : i32
        %dma_start3A_275 = arith.constant 2 : i32
        %dma_start3A_276 = arith.constant 0 : i32
        %dma_start3A_277 = arith.constant 0 : i32
        %dma_start3A_278 = tpu.memref_slice %arg7[%dma_start3A_275, %dma_start3A_276, %dma_start3A_277] : memref<3x96x128xf32, #tpu.memory_space<vmem>> -> memref<1x96x128xf32, #tpu.memory_space<vmem>>
        %dma_start3A_279 = tpu.memref_squeeze %dma_start3A_278 : memref<1x96x128xf32, #tpu.memory_space<vmem>> -> memref<96x128xf32, #tpu.memory_space<vmem>>
        %dma_start3A_280 = arith.constant 0 : i32
        %dma_start3A_281 = tpu.memref_slice %arg2[%add3A_274, %dma_start3A_280] : memref<320000x128xf32, #tpu.memory_space<hbm>> -> memref<96x128xf32, #tpu.memory_space<hbm>>
        %dma_start3A_282 = arith.constant 0 : i32
        %dma_start3A_283 = arith.constant 0 : i32
        %dma_start3A_284 = tpu.memref_slice %arg7[%dma_start3A_275, %dma_start3A_282, %dma_start3A_283] : memref<3x96x128xf32, #tpu.memory_space<vmem>> -> memref<1x96x128xf32, #tpu.memory_space<vmem>>
        %dma_start3A_285 = tpu.memref_squeeze %dma_start3A_284 : memref<1x96x128xf32, #tpu.memory_space<vmem>> -> memref<96x128xf32, #tpu.memory_space<vmem>>
        %dma_start3A_286 = arith.constant 0 : i32
        %dma_start3A_287 = tpu.memref_slice %arg2[%add3A_274, %dma_start3A_286] : memref<320000x128xf32, #tpu.memory_space<hbm>> -> memref<96x128xf32, #tpu.memory_space<hbm>>
        tpu.enqueue_dma source(%dma_start3A_287 : memref<96x128xf32, #tpu.memory_space<hbm>>) target(%dma_start3A_285 : memref<96x128xf32, #tpu.memory_space<vmem>>) target_semaphore(%arg14 : memref<!tpu.dma_semaphore, #tpu.memory_space<semaphore_mem>>)
      } else {
      }
    }
    %scan3A_142 = arith.constant 34 : i32
    %add3A_143 = arith.constant 9792 : i32
    %add3A_144 = arith.addi %mul3A_2, %add3A_143 : i32
    %dma_wait3A_145 = arith.constant 0 : i32
    %dma_wait3A_146 = arith.constant 0 : i32
    %dma_wait3A_147 = arith.constant 0 : i32
    %dma_wait3A_148 = tpu.memref_slice %arg7[%dma_wait3A_145, %dma_wait3A_146, %dma_wait3A_147] : memref<3x96x128xf32, #tpu.memory_space<vmem>> -> memref<1x96x128xf32, #tpu.memory_space<vmem>>
    %dma_wait3A_149 = tpu.memref_squeeze %dma_wait3A_148 : memref<1x96x128xf32, #tpu.memory_space<vmem>> -> memref<96x128xf32, #tpu.memory_space<vmem>>
    %dma_wait3A_150 = arith.constant 0 : i32
    %dma_wait3A_151 = tpu.memref_slice %arg2[%add3A_144, %dma_wait3A_150] : memref<320000x128xf32, #tpu.memory_space<hbm>> -> memref<96x128xf32, #tpu.memory_space<hbm>>
    %dma_wait3A_152 = arith.constant 0 : i32
    %dma_wait3A_153 = arith.constant 0 : i32
    %dma_wait3A_154 = tpu.memref_slice %arg7[%dma_wait3A_145, %dma_wait3A_152, %dma_wait3A_153] : memref<3x96x128xf32, #tpu.memory_space<vmem>> -> memref<1x96x128xf32, #tpu.memory_space<vmem>>
    %dma_wait3A_155 = tpu.memref_squeeze %dma_wait3A_154 : memref<1x96x128xf32, #tpu.memory_space<vmem>> -> memref<96x128xf32, #tpu.memory_space<vmem>>
    %dma_wait3A_156 = arith.constant 0 : i32
    %dma_wait3A_157 = tpu.memref_slice %arg2[%add3A_144, %dma_wait3A_156] : memref<320000x128xf32, #tpu.memory_space<hbm>> -> memref<96x128xf32, #tpu.memory_space<hbm>>
    tpu.wait_dma2 semaphore(%arg12 : memref<!tpu.dma_semaphore, #tpu.memory_space<semaphore_mem>>) src(%dma_wait3A_157 : memref<96x128xf32, #tpu.memory_space<hbm>>) dst(%dma_wait3A_155 : memref<96x128xf32, #tpu.memory_space<vmem>>)
    %run_scoped3A_158 = arith.constant 0 : i32
    %run_scoped3A_159 = arith.constant 102 : i32
    "tpu.region"() ({
      %run_scoped3A_186 = tpu.sem_alloc : memref<!tpu.dma_semaphore, #tpu.memory_space<semaphore_mem>>
      %dma_start3A_187 = arith.constant 0 : i32
      %dma_start3A_188 = arith.constant 0 : i32
      %dma_start3A_189 = tpu.memref_slice %arg7[%run_scoped3A_158, %dma_start3A_187, %dma_start3A_188] : memref<3x96x128xf32, #tpu.memory_space<vmem>> -> memref<1x96x128xf32, #tpu.memory_space<vmem>>
      %dma_start3A_190 = tpu.memref_squeeze %dma_start3A_189 : memref<1x96x128xf32, #tpu.memory_space<vmem>> -> memref<96x128xf32, #tpu.memory_space<vmem>>
      %dma_start3A_191 = arith.constant 0 : i32
      %dma_start3A_192 = tpu.memref_slice %arg6[%run_scoped3A_159, %dma_start3A_191] : memref<104x96xi32, #tpu.memory_space<vmem>> -> memref<1x96xi32, #tpu.memory_space<vmem>>
      %dma_start3A_193 = tpu.memref_squeeze %dma_start3A_192 : memref<1x96xi32, #tpu.memory_space<vmem>> -> memref<96xi32, #tpu.memory_space<vmem>>
      %dma_start3A_194 = arith.constant 0 : i32
      %dma_start3A_195 = arith.constant 0 : i32
      %dma_start3A_196 = tpu.memref_slice %arg9[%dma_start3A_194, %dma_start3A_195] : memref<10000x128xf32, #tpu.memory_space<vmem_shared>> -> memref<10000x128xf32, #tpu.memory_space<vmem_shared>>
      tpu.enqueue_indirect_dma source(%dma_start3A_190 : memref<96x128xf32, #tpu.memory_space<vmem>>) target(%dma_start3A_196 : memref<10000x128xf32, #tpu.memory_space<vmem_shared>>) offsets(%dma_start3A_193 : memref<96xi32, #tpu.memory_space<vmem>>) semaphore(%run_scoped3A_186 : memref<!tpu.dma_semaphore, #tpu.memory_space<semaphore_mem>>) {add = true}
      %dma_wait3A_197 = arith.constant 0 : i32
      %dma_wait3A_198 = arith.constant 0 : i32
      %dma_wait3A_199 = tpu.memref_slice %arg7[%run_scoped3A_158, %dma_wait3A_197, %dma_wait3A_198] : memref<3x96x128xf32, #tpu.memory_space<vmem>> -> memref<1x96x128xf32, #tpu.memory_space<vmem>>
      %dma_wait3A_200 = tpu.memref_squeeze %dma_wait3A_199 : memref<1x96x128xf32, #tpu.memory_space<vmem>> -> memref<96x128xf32, #tpu.memory_space<vmem>>
      %dma_wait3A_201 = arith.constant 0 : i32
      %dma_wait3A_202 = tpu.memref_slice %arg6[%run_scoped3A_159, %dma_wait3A_201] : memref<104x96xi32, #tpu.memory_space<vmem>> -> memref<1x96xi32, #tpu.memory_space<vmem>>
      %dma_wait3A_203 = tpu.memref_squeeze %dma_wait3A_202 : memref<1x96xi32, #tpu.memory_space<vmem>> -> memref<96xi32, #tpu.memory_space<vmem>>
      %dma_wait3A_204 = arith.constant 0 : i32
      %dma_wait3A_205 = arith.constant 0 : i32
      %dma_wait3A_206 = tpu.memref_slice %arg9[%dma_wait3A_204, %dma_wait3A_205] : memref<10000x128xf32, #tpu.memory_space<vmem_shared>> -> memref<10000x128xf32, #tpu.memory_space<vmem_shared>>
      tpu.wait_indirect_dma semaphore(%run_scoped3A_186 : memref<!tpu.dma_semaphore, #tpu.memory_space<semaphore_mem>>) src(%dma_wait3A_200 : memref<96x128xf32, #tpu.memory_space<vmem>>) dst(%dma_wait3A_206 : memref<10000x128xf32, #tpu.memory_space<vmem_shared>>)
      tpu.yield
    }) : () -> ()
    %add3A_160 = arith.constant 9888 : i32
    %add3A_161 = arith.addi %mul3A_2, %add3A_160 : i32
    %dma_wait3A_162 = arith.constant 1 : i32
    %dma_wait3A_163 = arith.constant 0 : i32
    %dma_wait3A_164 = arith.constant 0 : i32
    %dma_wait3A_165 = tpu.memref_slice %arg7[%dma_wait3A_162, %dma_wait3A_163, %dma_wait3A_164] : memref<3x96x128xf32, #tpu.memory_space<vmem>> -> memref<1x96x128xf32, #tpu.memory_space<vmem>>
    %dma_wait3A_166 = tpu.memref_squeeze %dma_wait3A_165 : memref<1x96x128xf32, #tpu.memory_space<vmem>> -> memref<96x128xf32, #tpu.memory_space<vmem>>
    %dma_wait3A_167 = arith.constant 0 : i32
    %dma_wait3A_168 = tpu.memref_slice %arg2[%add3A_161, %dma_wait3A_167] : memref<320000x128xf32, #tpu.memory_space<hbm>> -> memref<96x128xf32, #tpu.memory_space<hbm>>
    %dma_wait3A_169 = arith.constant 0 : i32
    %dma_wait3A_170 = arith.constant 0 : i32
    %dma_wait3A_171 = tpu.memref_slice %arg7[%dma_wait3A_162, %dma_wait3A_169, %dma_wait3A_170] : memref<3x96x128xf32, #tpu.memory_space<vmem>> -> memref<1x96x128xf32, #tpu.memory_space<vmem>>
    %dma_wait3A_172 = tpu.memref_squeeze %dma_wait3A_171 : memref<1x96x128xf32, #tpu.memory_space<vmem>> -> memref<96x128xf32, #tpu.memory_space<vmem>>
    %dma_wait3A_173 = arith.constant 0 : i32
    %dma_wait3A_174 = tpu.memref_slice %arg2[%add3A_161, %dma_wait3A_173] : memref<320000x128xf32, #tpu.memory_space<hbm>> -> memref<96x128xf32, #tpu.memory_space<hbm>>
    tpu.wait_dma2 semaphore(%arg13 : memref<!tpu.dma_semaphore, #tpu.memory_space<semaphore_mem>>) src(%dma_wait3A_174 : memref<96x128xf32, #tpu.memory_space<hbm>>) dst(%dma_wait3A_172 : memref<96x128xf32, #tpu.memory_space<vmem>>)
    %run_scoped3A_175 = arith.constant 1 : i32
    %run_scoped3A_176 = arith.constant 103 : i32
    "tpu.region"() ({
      %run_scoped3A_186 = tpu.sem_alloc : memref<!tpu.dma_semaphore, #tpu.memory_space<semaphore_mem>>
      %dma_start3A_187 = arith.constant 0 : i32
      %dma_start3A_188 = arith.constant 0 : i32
      %dma_start3A_189 = tpu.memref_slice %arg7[%run_scoped3A_175, %dma_start3A_187, %dma_start3A_188] : memref<3x96x128xf32, #tpu.memory_space<vmem>> -> memref<1x96x128xf32, #tpu.memory_space<vmem>>
      %dma_start3A_190 = tpu.memref_squeeze %dma_start3A_189 : memref<1x96x128xf32, #tpu.memory_space<vmem>> -> memref<96x128xf32, #tpu.memory_space<vmem>>
      %dma_start3A_191 = arith.constant 0 : i32
      %dma_start3A_192 = tpu.memref_slice %arg6[%run_scoped3A_176, %dma_start3A_191] : memref<104x96xi32, #tpu.memory_space<vmem>> -> memref<1x96xi32, #tpu.memory_space<vmem>>
      %dma_start3A_193 = tpu.memref_squeeze %dma_start3A_192 : memref<1x96xi32, #tpu.memory_space<vmem>> -> memref<96xi32, #tpu.memory_space<vmem>>
      %dma_start3A_194 = arith.constant 0 : i32
      %dma_start3A_195 = arith.constant 0 : i32
      %dma_start3A_196 = tpu.memref_slice %arg9[%dma_start3A_194, %dma_start3A_195] : memref<10000x128xf32, #tpu.memory_space<vmem_shared>> -> memref<10000x128xf32, #tpu.memory_space<vmem_shared>>
      tpu.enqueue_indirect_dma source(%dma_start3A_190 : memref<96x128xf32, #tpu.memory_space<vmem>>) target(%dma_start3A_196 : memref<10000x128xf32, #tpu.memory_space<vmem_shared>>) offsets(%dma_start3A_193 : memref<96xi32, #tpu.memory_space<vmem>>) semaphore(%run_scoped3A_186 : memref<!tpu.dma_semaphore, #tpu.memory_space<semaphore_mem>>) {add = true}
      %dma_wait3A_197 = arith.constant 0 : i32
      %dma_wait3A_198 = arith.constant 0 : i32
      %dma_wait3A_199 = tpu.memref_slice %arg7[%run_scoped3A_175, %dma_wait3A_197, %dma_wait3A_198] : memref<3x96x128xf32, #tpu.memory_space<vmem>> -> memref<1x96x128xf32, #tpu.memory_space<vmem>>
      %dma_wait3A_200 = tpu.memref_squeeze %dma_wait3A_199 : memref<1x96x128xf32, #tpu.memory_space<vmem>> -> memref<96x128xf32, #tpu.memory_space<vmem>>
      %dma_wait3A_201 = arith.constant 0 : i32
      %dma_wait3A_202 = tpu.memref_slice %arg6[%run_scoped3A_176, %dma_wait3A_201] : memref<104x96xi32, #tpu.memory_space<vmem>> -> memref<1x96xi32, #tpu.memory_space<vmem>>
      %dma_wait3A_203 = tpu.memref_squeeze %dma_wait3A_202 : memref<1x96xi32, #tpu.memory_space<vmem>> -> memref<96xi32, #tpu.memory_space<vmem>>
      %dma_wait3A_204 = arith.constant 0 : i32
      %dma_wait3A_205 = arith.constant 0 : i32
      %dma_wait3A_206 = tpu.memref_slice %arg9[%dma_wait3A_204, %dma_wait3A_205] : memref<10000x128xf32, #tpu.memory_space<vmem_shared>> -> memref<10000x128xf32, #tpu.memory_space<vmem_shared>>
      tpu.wait_indirect_dma semaphore(%run_scoped3A_186 : memref<!tpu.dma_semaphore, #tpu.memory_space<semaphore_mem>>) src(%dma_wait3A_200 : memref<96x128xf32, #tpu.memory_space<vmem>>) dst(%dma_wait3A_206 : memref<10000x128xf32, #tpu.memory_space<vmem_shared>>)
      tpu.yield
    }) : () -> ()
    %barrier3A_177 = arith.constant 0 : index
    tpu.barrier barrier_id(%barrier3A_177)
    %mul3A_178 = arith.constant 10000 : i32
    %mul3A_179 = arith.muli %arg0, %mul3A_178 : i32
    %add3A_180 = arith.addi %mul3A_179, %mul3A_54 : i32
    "tpu.region"() ({
      %run_scoped3A_186 = tpu.sem_alloc : memref<!tpu.dma_semaphore, #tpu.memory_space<semaphore_mem>>
      %dma_start3A_187 = arith.constant 0 : i32
      %dma_start3A_188 = tpu.memref_slice %arg5[%add3A_180, %dma_start3A_187] : memref<20000x128xf32, #tpu.memory_space<hbm>> -> memref<624x128xf32, #tpu.memory_space<hbm>>
      %dma_start3A_189 = arith.constant 0 : i32
      %dma_start3A_190 = tpu.memref_slice %arg9[%mul3A_54, %dma_start3A_189] : memref<10000x128xf32, #tpu.memory_space<vmem_shared>> -> memref<624x128xf32, #tpu.memory_space<vmem_shared>>
      tpu.enqueue_dma source(%dma_start3A_190 : memref<624x128xf32, #tpu.memory_space<vmem_shared>>) target(%dma_start3A_188 : memref<624x128xf32, #tpu.memory_space<hbm>>) target_semaphore(%run_scoped3A_186 : memref<!tpu.dma_semaphore, #tpu.memory_space<semaphore_mem>>)
      %dma_wait3A_191 = arith.constant 0 : i32
      %dma_wait3A_192 = tpu.memref_slice %arg5[%add3A_180, %dma_wait3A_191] : memref<20000x128xf32, #tpu.memory_space<hbm>> -> memref<624x128xf32, #tpu.memory_space<hbm>>
      %dma_wait3A_193 = arith.constant 0 : i32
      %dma_wait3A_194 = tpu.memref_slice %arg9[%mul3A_54, %dma_wait3A_193] : memref<10000x128xf32, #tpu.memory_space<vmem_shared>> -> memref<624x128xf32, #tpu.memory_space<vmem_shared>>
      tpu.wait_dma2 semaphore(%run_scoped3A_186 : memref<!tpu.dma_semaphore, #tpu.memory_space<semaphore_mem>>) src(%dma_wait3A_194 : memref<624x128xf32, #tpu.memory_space<vmem_shared>>) dst(%dma_wait3A_192 : memref<624x128xf32, #tpu.memory_space<hbm>>)
      tpu.yield
    }) : () -> ()
    %eq3A_181 = arith.constant 0 : i32
    %eq3A_182 = arith.cmpi eq, %arg1, %eq3A_181 : i32
    %convert_element_type3A_183 = arith.extui %eq3A_182 : i1 to i32
    %cond3A_184 = arith.constant 0 : i32
    %cond3A_185 = arith.cmpi ne, %convert_element_type3A_183, %cond3A_184 : i32
    scf.if %cond3A_185 {
      %mul3A_186 = arith.constant 10000 : i32
      %mul3A_187 = arith.muli %arg0, %mul3A_186 : i32
      %add3A_188 = arith.constant 9984 : i32
      %add3A_189 = arith.addi %mul3A_187, %add3A_188 : i32
      "tpu.region"() ({
        %run_scoped3A_190 = tpu.sem_alloc : memref<!tpu.dma_semaphore, #tpu.memory_space<semaphore_mem>>
        %dma_start3A_191 = arith.constant 0 : i32
        %dma_start3A_192 = tpu.memref_slice %arg5[%add3A_189, %dma_start3A_191] : memref<20000x128xf32, #tpu.memory_space<hbm>> -> memref<16x128xf32, #tpu.memory_space<hbm>>
        %dma_start3A_193 = arith.constant 9984 : i32
        %dma_start3A_194 = arith.constant 0 : i32
        %dma_start3A_195 = tpu.memref_slice %arg9[%dma_start3A_193, %dma_start3A_194] : memref<10000x128xf32, #tpu.memory_space<vmem_shared>> -> memref<16x128xf32, #tpu.memory_space<vmem_shared>>
        tpu.enqueue_dma source(%dma_start3A_195 : memref<16x128xf32, #tpu.memory_space<vmem_shared>>) target(%dma_start3A_192 : memref<16x128xf32, #tpu.memory_space<hbm>>) target_semaphore(%run_scoped3A_190 : memref<!tpu.dma_semaphore, #tpu.memory_space<semaphore_mem>>)
        %dma_wait3A_196 = arith.constant 0 : i32
        %dma_wait3A_197 = tpu.memref_slice %arg5[%add3A_189, %dma_wait3A_196] : memref<20000x128xf32, #tpu.memory_space<hbm>> -> memref<16x128xf32, #tpu.memory_space<hbm>>
        %dma_wait3A_198 = arith.constant 9984 : i32
        %dma_wait3A_199 = arith.constant 0 : i32
        %dma_wait3A_200 = tpu.memref_slice %arg9[%dma_wait3A_198, %dma_wait3A_199] : memref<10000x128xf32, #tpu.memory_space<vmem_shared>> -> memref<16x128xf32, #tpu.memory_space<vmem_shared>>
        tpu.wait_dma2 semaphore(%run_scoped3A_190 : memref<!tpu.dma_semaphore, #tpu.memory_space<semaphore_mem>>) src(%dma_wait3A_200 : memref<16x128xf32, #tpu.memory_space<vmem_shared>>) dst(%dma_wait3A_197 : memref<16x128xf32, #tpu.memory_space<hbm>>)
        tpu.yield
      }) : () -> ()
    } else {
    }
    return
  }
}

module attributes {stable_mosaic.version = 14 : i64} {
  func.func @body(%arg0: i32, %arg1: memref<1000x128xf32, #tpu.memory_space<vmem>>, %arg2: memref<1000x128xf32, #tpu.memory_space<vmem>>, %arg3: memref<1000x128xf32, #tpu.memory_space<vmem>>) attributes {dimension_semantics = [#tpu.dimension_semantics<arbitrary>], iteration_bounds = array<i64: 10>, scalar_prefetch = 0 : i64, scratch_operands = 0 : i64, tpu.core_type = #tpu.core_type<tc>, window_params = [{transform_indices = @transform_0, window_bounds = array<i64: 1000, 128>}, {transform_indices = @transform_1, window_bounds = array<i64: 1000, 128>}, {transform_indices = @transform_2, window_bounds = array<i64: 1000, 128>}]} {
    %get3A = arith.constant 0 : index
    %get3A_0 = arith.constant 0 : index
    %get3A_1 = vector.load %arg1[%get3A, %get3A_0] : memref<1000x128xf32, #tpu.memory_space<vmem>>, vector<1000x128xf32>
    %get3A_2 = arith.constant 0 : index
    %get3A_3 = arith.constant 0 : index
    %get3A_4 = vector.load %arg2[%get3A_2, %get3A_3] : memref<1000x128xf32, #tpu.memory_space<vmem>>, vector<1000x128xf32>
    %add3A = arith.addf %get3A_1, %get3A_4 : vector<1000x128xf32>
    %swap3A = arith.constant 0 : index
    %swap3A_5 = arith.constant 0 : index
    %swap3A_6 = vector.load %arg3[%swap3A, %swap3A_5] : memref<1000x128xf32, #tpu.memory_space<vmem>>, vector<1000x128xf32>
    tpu.vector_store %arg3[%swap3A, %swap3A_5], %add3A {strides = array<i32>} : memref<1000x128xf32, #tpu.memory_space<vmem>>, vector<1000x128xf32>,
    return
  }
  func.func @transform_0(%arg0: i32) -> (i32, i32) {
    %c0_i32 = arith.constant 0 : i32
    %c0_i32_0 = arith.constant 0 : i32
    return %arg0, %c0_i32 : i32, i32
  }
  func.func @transform_1(%arg0: i32) -> (i32, i32) {
    %add3A = arith.constant 10 : i32
    %add3A_0 = arith.addi %arg0, %add3A : i32
    %c0_i32 = arith.constant 0 : i32
    %c0_i32_1 = arith.constant 0 : i32
    return %add3A_0, %c0_i32 : i32, i32
  }
  func.func @transform_2(%arg0: i32) -> (i32, i32) {
    %c0_i32 = arith.constant 0 : i32
    %c0_i32_0 = arith.constant 0 : i32
    return %arg0, %c0_i32 : i32, i32
  }
}

</mosaic_0001>

<sc_bundles>
// kernel: kernel.4.cloned.1.call-start
scs
__scs_entry_jumppad:
0x0: {  	(pc) =	sbr.rel $0x88, $3  }
0x1: {  	(tag) =	ssettag $0x0;
	lr =	simm.s32 $0x1  }
0x2: {  	[smem:$0x3F9F] =	sst lr;
	_ =	strace $0xD0000000  }
0x3: {  	_ = 	snop  }
0x4: {  	_ = 	snop  }
0x5: {  	_ = 	snop  }
0x6: {  	_ = 	snop  }
0x7: {  	_ = 	snop  }
__scs_overlays_trampoline_lowered:
0x8: {  	[smem:$0x3FAE] =	sst s0  }
0x9: {  	[smem:$0x3FAF] =	sst s1  }
0xa: {  	[smem:$0x3FB0] =	sst s2  }
0xb: {  	[smem:$0x3FB1] =	sst s3  }
0xc: {  	[smem:$0x3FB2] =	sst s4  }
0xd: {  	[smem:$0x3FB3] =	sst s5  }
0xe: {  	[smem:$0x3FB4] =	sst s6  }
0xf: {  	[smem:$0x3FB5] =	sst s7  }
0x10: {  	[smem:$0x3FB6] =	sst s8  }
0x11: {  	[smem:$0x3FB7] =	sst s9;
	s0 =	simm.s32 @!p0 $0x0  }
0x12: {  	s1 =	sld [smem:$0x3F9D];
	s0 =	simm.s32 @p0 $0x1  }
0x13: {  	[smem:$0x3FB8] =	sst s0;
	s0 =	simm.s32 @!p1 $0x0  }
0x14: {  	s2 =	sld [smem:$0x3F9C];
	s0 =	simm.s32 @p1 $0x1  }
0x15: {  	[smem:$0x3FB9] =	sst s0;
	s0 =	simm.s32 @!p2 $0x0  }
0x16: {  	s3 =	sld [smem:$0x3FDB];
	s0 =	simm.s32 @p2 $0x1  }
0x17: {  	s4 =	simm.s32 $0x1BF5;
	[smem:$0x3FBB] =	sst s0  }
0x18: {  	s0 =	sld [smem:$0x3F9E];
	_ =	swait.ge [sflag:s4], $0x0  }
0x19: {  	s7 =	sld [smem:$0x3F9F]  }
0x1a: {  	s8 =	sadd.s32 $0xFFFFE003, lr  }
0x1b: {  	s9 =	sadd.s32 $0xFFFFFEF7, lr;
	s5 =	simm.s32 $0xFFFFFFFF;
	p2 =	slt.u32 s8, $0xFFFFF086  }
0x1c: {  	p1 =	slt.u32 s9, $0xF7A;
	s5 =	simm.s32 @!p2 $0x0  }
0x1d: {  	s5 =	simm.s32 @p1 $0x1;
	p0 =	seq.s32 s7, s2  }
0x1e: {  	s7 =	smul.u32 @!p0 $0xF7A, s2;
	p2 =	seq.s32 @!p0 s5, $0x0  }
0x1f: {  	s9 =	smul.u32 $0xF7A, s1;
	s8 =	simm.s32 @!p0 $0x1BF5;
	p2 =	por !p2, p0  }
0x20: {  	[sflag:s8] =	ssyncset.s32 @!p0 $0xFFFFF086;
	s6 =	sadd.s32 @!p0 s3, s7;
	s7 =	simm.s32 @!p0 $0x108  }
0x21: {  	s3 =	sadd.s32 s3, s9;
	s6 =	sadd.s32 @!p0 $0x88, s6;
	s7 =	simm.s32 @p2 $0x1082  }
0x22: {  	[simem:s7], [sflag:s8] =	dma.local @!p0 [hbm:s6], $0xF7A  }
0x23: {  	s9 =	sor.u32 $0xD0000000, s2;
	s6 =	simm.s32 $0x108;
	_ =	swait.ge @!p0 [sflag:s8], $0x0  }
0x24: {  	s3 =	sadd.s32 $0x88, s3;
	s6 =	simm.s32 @!p1 $0x1082;
	[sflag:s4] =	ssyncset.s32 $0xFFFFF086  }
0x25: {  	[simem:s6], [sflag:s4] =	dma.local [hbm:s3], $0xF7A  }
0x26: {  	[smem:$0x3F9F] =	sst s1;
	(tag) =	ssettag s2;
	_ =	strace s9  }
0x27: {  	s1 =	sld [smem:$0x3FAF]  }
0x28: {  	s2 =	sld [smem:$0x3FB0]  }
0x29: {  	s4 =	sld [smem:$0x3FB2]  }
0x2a: {  	p0 =	seq.s32 s5, $0x0;
	s5 =	sld [smem:$0x3FB3]  }
0x2b: {  	s6 =	sld [smem:$0x3FB4]  }
0x2c: {  	s7 =	sld [smem:$0x3FB5]  }
0x2d: {  	s3 =	simm.s32 $0x108;
	s8 =	sld [smem:$0x3FB6]  }
0x2e: {  	s3 =	simm.s32 @!p0 $0x1082;
	s9 =	sld [smem:$0x3FB7]  }
0x2f: {  	lr =	sadd.s32 s0, s3;
	s0 =	sld [smem:$0x3FAE]  }
0x30: {  	s3 =	sld [smem:$0x3FB1]  }
0x31: {  	[smem:$0x3FBA] =	sst s10  }
0x32: {  	s10 =	sld [smem:$0x3FB8];
	_ =	sdelay $0x3  }
0x33: {  	p0 =	seq.s32 s10, $0x1;
	s10 =	sld [smem:$0x3FBA];
	_ =	sdelay $0x3  }
0x34: {  	[smem:$0x3FBA] =	sst s10  }
0x35: {  	s10 =	sld [smem:$0x3FB9];
	_ =	sdelay $0x3  }
0x36: {  	p1 =	seq.s32 s10, $0x1;
	s10 =	sld [smem:$0x3FBA];
	_ =	sdelay $0x3  }
0x37: {  	[smem:$0x3FBA] =	sst s10  }
0x38: {  	s10 =	sld [smem:$0x3FBB]  }
0x39: {  	_ = 	snop;
	(pc) =	sbr.ind lr, $3  }
0x3a: {  	_ = 	snop  }
0x3b: {  	_ = 	snop  }
0x3c: {  	p2 =	seq.s32 s10, $0x1;
	s10 =	sld [smem:$0x3FBA]  }
0x3d: {  	_ =	shalt  }
0x3e: {  	_ =	shalt  }
0x3f: {  	_ =	shalt  }
0x40: {  	_ =	shalt  }
0x41: {  	_ =	shalt  }
0x42: {  	_ =	shalt  }
0x43: {  	_ =	shalt  }
0x44: {  	_ =	shalt  }
0x45: {  	_ =	shalt  }
0x46: {  	_ =	shalt  }
0x47: {  	_ =	shalt  }
0x48: {  	_ =	shalt  }
0x49: {  	_ =	shalt  }
0x4a: {  	_ =	shalt  }
0x4b: {  	_ =	shalt  }
0x4c: {  	_ =	shalt  }
0x4d: {  	_ =	shalt  }
0x4e: {  	_ =	shalt  }
0x4f: {  	_ =	shalt  }
0x50: {  	_ =	shalt  }
0x51: {  	_ =	shalt  }
0x52: {  	_ =	shalt  }
0x53: {  	_ =	shalt  }
0x54: {  	_ =	shalt  }
0x55: {  	_ =	shalt  }
0x56: {  	_ =	shalt  }
0x57: {  	_ =	shalt  }
0x58: {  	_ =	shalt  }
0x59: {  	_ =	shalt  }
0x5a: {  	_ =	shalt  }
0x5b: {  	_ =	shalt  }
0x5c: {  	_ =	shalt  }
0x5d: {  	_ =	shalt  }
0x5e: {  	_ =	shalt  }
0x5f: {  	_ =	shalt  }
0x60: {  	_ =	shalt  }
0x61: {  	_ =	shalt  }
0x62: {  	_ =	shalt  }
0x63: {  	_ =	shalt  }
0x64: {  	_ =	shalt  }
0x65: {  	_ =	shalt  }
0x66: {  	_ =	shalt  }
0x67: {  	_ =	shalt  }
0x68: {  	_ =	shalt  }
0x69: {  	_ =	shalt  }
0x6a: {  	_ =	shalt  }
0x6b: {  	_ =	shalt  }
0x6c: {  	_ =	shalt  }
0x6d: {  	_ =	shalt  }
0x6e: {  	_ =	shalt  }
0x6f: {  	_ =	shalt  }
0x70: {  	_ =	shalt  }
0x71: {  	_ =	shalt  }
0x72: {  	_ =	shalt  }
0x73: {  	_ =	shalt  }
0x74: {  	_ =	shalt  }
0x75: {  	_ =	shalt  }
0x76: {  	_ =	shalt  }
0x77: {  	_ =	shalt  }
0x78: {  	_ =	shalt  }
0x79: {  	_ =	shalt  }
0x7a: {  	_ =	shalt  }
0x7b: {  	_ =	shalt  }
0x7c: {  	_ =	shalt  }
0x7d: {  	_ =	shalt  }
0x7e: {  	_ =	shalt  }
0x7f: {  	_ =	shalt  }
0x80: {  	_ =	shalt  }
0x81: {  	_ =	shalt  }
0x82: {  	_ =	shalt  }
0x83: {  	_ =	shalt  }
0x84: {  	_ =	shalt  }
0x85: {  	_ =	shalt  }
0x86: {  	_ =	shalt  }
0x87: {  	_ =	shalt  }
.Lfunc_end0:
.L_simem_size_0:
called_computation_lowered:
.L_overlay_start_0:
0x88: {  	s2 =	sld [smem:$0x3FD9]  }
0x89: {  	s3 =	sld [smem:$0x3FFE];
	_ =	sdelay $0x1  }
0x8a: {  	s1 =	srdreg.scid  }
0x8b: {  	s0 =	sand.u32 $0x1, s1  }
0x8c: {  	s17 =	sshll.u32 s0, $0xA;
	s2 =	sadd.s32 s3, s2  }
0x8d: {  	s2 =	sadd.s32 s2, s17  }
0x8e: {  	[smem:$0x3FC6] =	sst s2  }
0x8f: {  	_ = 	snop  }
0x90: {  	s2 =	sld [smem:$0x3FC9]  }
0x91: {  	s18 =	sld [smem:$0x3FD0];
	(tm) =	ssettm $0x1  }
0x92: {  	s4 =	sld [smem:$0x3FFB];
	_ =	sdelay $0x3  }
0x93: {  	_ =	strace s4  }
0x94: {  	s4 =	sld [smem:$0x3FFC];
	_ =	sdelay $0x3  }
0x95: {  	_ =	strace s4  }
0x96: {  	s4 =	sld [smem:$0x3FFD];
	_ =	sdelay $0x3  }
0x97: {  	_ =	strace s4  }
0x98: {  	_ =	strace $0x8FFFFFFF  }
0x99: {  	s19 =	sld [smem:$0x3FDB];
	_ =	sdelay $0x1  }
0x9a: {  	s5 =	simm.s32 $_scs_section_size  }
0x9b: {  	s6 =	simm.s32 $_size__tile_overlayer_lowered;
	s7 =	simm.s32 $_tile_overlayer_lowered  }
0x9c: {  	s22 =	simm.s32 $0x1BFF;
	s21 =	sshll.u32 s7, $0x1;
	s4 =	sadd.s32 s5, s19  }
0x9d: {  	s8 =	simm.s32 $0x0;
	s20 =	sshll.u32 s6, $0x1;
	s6 =	sadd.s32 s21, s4  }
0x9e: {  	[timem:s8], [sflag:s22] =	dma.local [hbm:s6], s20  }
0x9f: {  	_ =	swait.ge [sflag:s22], s20  }
0xa0: {  	s5 =	ssub.s32 $0x0, s20;
	[sflag:s22] =	ssyncset.done $0x0  }
0xa1: {  	[sflag:s22] =	ssyncadd.s32 s5;
	_ =	sdelay $0x1  }
0xa2: {  	s23 =	simm.s32 $0x1B8B  }
0xa3: {  	_ =	swait.ge [sflag:s23], $0x1  }
0xa4: {  	[sflag:s23] =	ssyncset.done $0x0  }
0xa5: {  	s25 =	simm.s32 $0x1B8E;
	s24 =	sld [smem:$0x3FFE];
	[sflag:s23] =	ssyncadd.s32 $0xFFFFFFFF  }
0xa6: {  	s26 =	simm.s32 $execute0_lowered;
	[smem:$0x3FD2] =	sst s25  }
0xa7: {  	s6 =	sshll.u32 s26, $0x1;
	_ =	strace $0x80000046;
	[dreg:$0x1] =	wrdreg $0xFFFFFFFF  }
0xa8: {  	s28 =	simm.s32 $_size_execute0_lowered;
	s4 =	sadd.s32 s4, s6;
	[dreg:$0x0] =	wrdreg $0x0  }
0xa9: {  	s6 =	sshll.u32 s28, $0x1;
	[dreg:$0x2] =	wrdreg s4  }
0xaa: {  	[dreg:$0x3] =	wrdreg s6  }
0xab: {  	[dreg:$0x4] =	wrdreg $0xC0  }
0xac: {  	_ =	task [dreg:s8], $0x5FFFF  }
0xad: {  	[dreg:$0x1] =	wrdreg $0xFFFFFFFF  }
0xae: {  	[dreg:$0x0] =	wrdreg $0x60  }
0xaf: {  	[dreg:$0x2] =	wrdreg s2  }
0xb0: {  	[dreg:$0x3] =	wrdreg s18  }
0xb1: {  	[dreg:$0x4] =	wrdreg s24  }
0xb2: {  	[dreg:$0x5] =	wrdreg $0xC4800  }
0xb3: {  	[dreg:$0x6] =	wrdreg $0x9  }
0xb4: {  	_ =	task.clear_ibuf [dreg:s8], $0x7FFFF;
	_ =	strace $0x90000046  }
0xb5: {  	s29 =	simm.s32 $0x9;
	_ =	strace $0x80000048  }
0xb6: {  	_ =	swait.ge [sflag:s29], $0x1  }
0xb7: {  	[sflag:s29] =	ssyncadd.s32 $0xFFFFFFFF  }
0xb8: {  	_ =	strace $0x90000048  }
0xb9: {  	_ =	sfence  }
0xba: {  	s30 =	sld [smem:$0x0];
	_ =	sdelay $0x2  }
0xbb: {  	s31 =	sshll.u32 s1, $0xD;
	s1 =	sshrl.u32 s1, $0x2  }
0xbc: {  	s3 =	sand.u32 $0x4000, s31;
	s1 =	sadd.s32 s1, s30  }
0xbd: {  	s0 =	sor.u32 s3, s0;
	s1 =	sshll.u32 s1, $0x11  }
0xbe: {  	s0 =	sor.u32 s1, s0  }
0xbf: {  	s0 =	sadd.s32 $0x8F2B, s0  }
0xc0: {  	[sflag:s0] =	ssyncadd.remote.s32 $0x1  }
0xc1: {  	_ =	sfence.sel $0xFFFF  }
0xc2: {  	[dreg:$0x0] =	wrdreg $0xFFFFFFFF;
	(pc) =	sbr.abs _section_cstart, $3  }
0xc3: {  	[dreg:$0x1] =	wrdreg $0xFFFFFFFF  }
0xc4: {  	_ =	task.clear_ibuf [dreg:s8], $0x2FFFF;
	_ =	strace $0x9FFFFFFF  }
0xc5: {  	(tm) =	ssettm $0x7FFFFFFF  }
tec
execute0_lowered:
.L_overlay_start_1:
0x0: {  	(tag) =	ssettag $0x1  }
0x1: {  	s0 =	rddreg [dreg:$0x0]  }
0x2: {  	s3 =	rddreg [dreg:$0x1]  }
0x3: {  	s4 =	rddreg [dreg:$0x2]  }
0x4: {  	s1 =	rddreg [dreg:$0x3]  }
0x5: {  	s5 =	srdreg.scid;
	s2 =	simm.s32 $0x0;
	s23 =	stileid.u32  }
0x6: {  	s28 =	simm.s32 $0x3400;
	s29 =	simm.s32 $0x6;
	s30 =	simm.s32 $0x2  }
0x7: {  	s31 =	simm.s32 $0x60;
	s5 =	sand.u32 $0x1, s5;
	s13 =	smul.u32 $0x4E000, s23  }
0x8: {  	[smem:$0x7FF] =	sst s2;
	s6 =	sshll.u32 s23, $0x4;
	s26 =	smul.u32 $0x27000, s23  }
0x9: {  	s16 =	sadd.s32 $0x138000, s1;
	p0 =	sne.s32 s23, $0x0;
	s22 =	smul.u32 $0x138800, s5  }
0xa: {  	s7 =	sshll.u32 s5, $0x4;
	_ =	strace $0x80000047;
	s24 =	smul.u32 $0x27100, s5  }
0xb: {  	s6 =	sand.u32 $0x70, s6;
	s9 =	ssub.s32 $0x2, s5;
	s5 =	smul.u32 $0x270000, s5  }
0xc: {  	s7 =	sor.u32 s23, s7;
	s6 =	sadd.s32 s6, s4;
	s4 =	sadd.s32 $0x800, s4  }
0xd: {  	s12 =	sshrl.u32 s9, $0x1;
	s8 =	smul.u32 $0x680, s7;
	s10 =	sshll.u32 s7, $0x4  }
0xe: {  	s11 =	smul.u32 $0x27000, s7;
	s20 =	ssub.s32 s9, s12;
	s7 =	sshll.u32 s7, $0x8  }
0xf: {  	s25 =	sshrl.u32 s22, $0x3;
	s10 =	sand.u32 $0x180, s10;
	s7 =	sadd.s32 s7, s0  }
0x10: {  	s20 =	smax.u32 s20, $0x1;
	s3 =	sadd.s32 s3, s8;
	s9 =	sadd.s32 s10, s6  }
0x11: {  	s6 =	sadd.s32 s0, s11;
	s10 =	sshrl.u32 s13, $0x2;
	s13 =	smul.u32 $0x2700, s23  }
0x12: {  	s0 =	sadd.s32 s5, s0;
	s5 =	simm.s32 $0x5;
	[dreg:$0x5] =	wrdreg s3  }
0x13: {  	s3 =	sadd.s32 $0x600, s9;
	s11 =	sadd.s32 $0x600, s6;
	s12 =	sadd.s32 $0xC00, s6  }
0x14: {  	s9 =	sadd.s32 s10, s1;
	s0 =	sadd.s32 s26, s0;
	[dreg:$0x6] =	wrdreg s3  }
0x15: {  	s22 =	sadd.s32 $0x26A00, s6;
	s26 =	simm.s32 $0x9400;
	[dreg:$0x7] =	wrdreg s11  }
0x16: {  	[dreg:$0x8] =	wrdreg s12;
	s17 =	sadd.s32 $0x3000, s9;
	s18 =	sadd.s32 $0x6000, s9  }
0x17: {  	s19 =	sadd.s32 $0x9000, s9;
	s21 =	sadd.s32 $0xC000, s9;
	[dreg:$0x9] =	wrdreg s17  }
0x18: {  	s14 =	sadd.s32 $0xF000, s9;
	s15 =	sadd.s32 $0x12000, s9;
	[dreg:$0xa] =	wrdreg s18  }
0x19: {  	s3 =	sadd.s32 s13, s24;
	s11 =	sadd.s32 $0x1E00, s0;
	[dreg:$0xb] =	wrdreg s19  }
0x1a: {  	s24 =	simm.s32 $0xC400;
	s0 =	simm.s32 $0x1;
	[dreg:$0xc] =	wrdreg s21  }
0x1b: {  	s17 =	sadd.s32 $0x4E0000, s7;
	s7 =	sadd.s32 s4, s25;
	s18 =	sadd.s32 s4, s3  }
0x1c: {  	s21 =	sadd.s32 $0x26400, s6;
	s25 =	simm.s32 $0x6400;
	s3 =	simm.s32 $0x3  }
0x1d: {  	v0 =	vimm.f32 $0.0e+00;
	s4 =	simm.s32 $0x4;
	s19 =	sadd.s32 $0x27000, s7;
	s7 =	simm.s32 $0x0  }
.LBB2_1:
0x1e: {  	s8 =	rddreg [dreg:$0x5]  }
0x1f: {  	[tilespmem:s2], [sflag:$0x1] =	stream.linear.gather [hbm4b:s8+s2], $0x3400, $0x38;
	[tilespmem:$0x1FD00] =	vst v63  }
0x20: {  	s12 =	rddreg [dreg:$0x6]  }
0x21: {  	[tilespmem:s24], [sflag:$0x2] =	stream.linear.gather [hbm4b:s12+s2], $0x80, $0x38;
	[tilespmem:$0x1FD00] =	vst v63  }
0x22: {  	s13 =	rddreg [dreg:$0x7]  }
0x23: {  	[tilespmem:s25], [sflag:$0x4] =	stream.linear.gather [hbm4b:s13+s2], $0x3000, $0x38;
	[tilespmem:$0x1FD00] =	vst v63  }
0x24: {  	s23 =	rddreg [dreg:$0x8];
	s10 =	simm.s32 $0x200;
	s8 =	simm.s32 $0x0  }
0x25: {  	[tilespmem:s26], [sflag:$0x5] =	stream.linear.gather [hbm4b:s23+s2], $0x3000, $0x38;
	[tilespmem:$0x1FD00] =	vst v63  }
.LBB2_2:
0x26: {  	p1 =	sne.s32 s10, $0xBE00;
	[tilespmem:s8+$0x3470] =	vst v0  }
0x27: {  	[tilespmem:s8+$0x3400] =	vst v0  }
0x28: {  	[tilespmem:s8+$0x3410] =	vst v0  }
.Ltmp0:
0x29: {  	[tilespmem:s8+$0x3420] =	vst v0;
	(pc) =	sbr.rel @p1 .LBB2_2-.Ltmp0, $4  }
0x2a: {  	[tilespmem:s8+$0x3430] =	vst v0  }
0x2b: {  	[tilespmem:s8+$0x3440] =	vst v0  }
0x2c: {  	[tilespmem:s8+$0x3450] =	vst v0  }
0x2d: {  	[tilespmem:s8+$0x3460] =	vst v0;
	s8 =	sshra.s32 s10, $0x2;
	s10 =	sadd.s32 $0x200, s10  }
0x2e: {  	[tilespmem:s8+$0x3470] =	vst v0  }
0x2f: {  	[tilespmem:s8+$0x3400] =	vst v0  }
0x30: {  	[tilespmem:s8+$0x3410] =	vst v0  }
0x31: {  	[tilespmem:s8+$0x3420] =	vst v0  }
0x32: {  	[tilespmem:s8+$0x3430] =	vst v0  }
0x33: {  	[tilespmem:s8+$0x3440] =	vst v0  }
0x34: {  	[tilespmem:s8+$0x3450] =	vst v0  }
0x35: {  	[tilespmem:s8+$0x3460] =	vst v0  }
0x36: {  	[spmem:s9] =	stream.linear.scatter [tilespmem:s28], [sflag:$0x6], $0x3000, $0x38;
	[tilespmem:$0x1FD00] =	vst v63  }
0x37: {  	_ =	swait.ge [sflag:s29], $0x3000  }
0x38: {  	[sflag:s29] =	ssyncset.done $0x0  }
0x39: {  	s13 =	rddreg [dreg:$0x9];
	[sflag:s29] =	ssyncadd.s32 $0xFFFFD000  }
0x3a: {  	[spmem:s13] =	stream.linear.scatter [tilespmem:s28], [sflag:$0x6], $0x3000, $0x38;
	[tilespmem:$0x1FD00] =	vst v63  }
0x3b: {  	_ =	swait.ge [sflag:s29], $0x3000  }
0x3c: {  	[sflag:s29] =	ssyncset.done $0x0  }
0x3d: {  	s23 =	rddreg [dreg:$0xa];
	[sflag:s29] =	ssyncadd.s32 $0xFFFFD000  }
0x3e: {  	[spmem:s23] =	stream.linear.scatter [tilespmem:s28], [sflag:$0x6], $0x3000, $0x38;
	[tilespmem:$0x1FD00] =	vst v63  }
0x3f: {  	_ =	swait.ge [sflag:s29], $0x3000  }
0x40: {  	[sflag:s29] =	ssyncset.done $0x0  }
0x41: {  	s10 =	rddreg [dreg:$0xb];
	[sflag:s29] =	ssyncadd.s32 $0xFFFFD000  }
0x42: {  	[spmem:s10] =	stream.linear.scatter [tilespmem:s28], [sflag:$0x6], $0x3000, $0x38;
	[tilespmem:$0x1FD00] =	vst v63  }
0x43: {  	_ =	swait.ge [sflag:s29], $0x3000  }
0x44: {  	[sflag:s29] =	ssyncset.done $0x0  }
0x45: {  	s12 =	rddreg [dreg:$0xc];
	[sflag:s29] =	ssyncadd.s32 $0xFFFFD000  }
0x46: {  	[spmem:s12] =	stream.linear.scatter [tilespmem:s28], [sflag:$0x6], $0x3000, $0x38;
	[tilespmem:$0x1FD00] =	vst v63  }
0x47: {  	_ =	swait.ge [sflag:s29], $0x3000  }
0x48: {  	[sflag:s29] =	ssyncset.done $0x0  }
0x49: {  	[sflag:s29] =	ssyncadd.s32 $0xFFFFD000  }
0x4a: {  	[spmem:s14] =	stream.linear.scatter [tilespmem:s28], [sflag:$0x6], $0x3000, $0x38;
	[tilespmem:$0x1FD00] =	vst v63  }
0x4b: {  	_ =	swait.ge [sflag:s29], $0x3000  }
0x4c: {  	[sflag:s29] =	ssyncset.done $0x0  }
0x4d: {  	[sflag:s29] =	ssyncadd.s32 $0xFFFFD000  }
0x4e: {  	[spmem:s15] =	stream.linear.scatter [tilespmem:s28], [sflag:$0x6], $0x1800, $0x38;
	[tilespmem:$0x1FD00] =	vst v63  }
0x4f: {  	_ =	swait.ge [sflag:s29], $0x1800  }
0x50: {  	[sflag:s29] =	ssyncset.done $0x0  }
0x51: {  	s8 =	simm.s32 @!p0 $0x3400;
	[sflag:s29] =	ssyncadd.s32 $0xFFFFE800  }
0x52: {  	[spmem:s16] =	stream.linear.scatter @!p0 [tilespmem:s8], [sflag:$0x6], $0x800, $0x38;
	[tilespmem:$0x1FD00] =	vst v63  }
0x53: {  	s8 =	simm.s32 @!p0 $0x6  }
0x54: {  	_ =	swait.ge @!p0 [sflag:s8], $0x800  }
0x55: {  	[sflag:s8] =	ssyncset.done @!p0 $0x0  }
0x56: {  	s13 =	simm.s32 $0x0;
	[sflag:s8] =	ssyncadd.s32 @!p0 $0xFFFFF800  }
0x57: {  	[tilespmem:s28], [sflag:$0x2] =	stream.linear.gather [hbm4b:s17+s13], $0x800, $0x38;
	[tilespmem:$0x1FD00] =	vst v63  }
0x58: {  	[bflag:$0x0] =	sbarrier.arrive $0xFFFF  }
0x59: {  	_ =	swait.ge [sflag:s30], $0x80  }
0x5a: {  	[sflag:s30] =	ssyncset.done $0x0  }
0x5b: {  	[sflag:s30] =	ssyncadd.s32 $0xFFFFFF80  }
0x5c: {  	_ =	swait.ge [sflag:s30], $0x800  }
0x5d: {  	[sflag:s30] =	ssyncset.done $0x0  }
0x5e: {  	s10 =	simm.s32 $0x10;
	[sflag:s30] =	ssyncadd.s32 $0xFFFFF800  }
0x5f: {  	[spmem:s1] =	stream.indirect.scatter.add.f32 [tilespmem:s28], [sflag:$0x6], $0x80, s24, s10, $0xb8;
	[tilespmem:$0x1FD00] =	vst v63  }
0x60: {  	_ =	swait.ge [sflag:s29], $0x800  }
0x61: {  	[sflag:s29] =	ssyncset.done $0x0  }
0x62: {  	[sflag:s29] =	ssyncadd.s32 $0xFFFFF800  }
0x63: {  	_ =	swait.ge [sflag:s0], $0x3400  }
0x64: {  	[sflag:s0] =	ssyncset.done $0x0  }
0x65: {  	[sflag:s0] =	ssyncadd.s32 $0xFFFFCC00  }
0x66: {  	[tilespmem:s28], [sflag:$0x3] =	stream.linear.gather [hbm4b:s6+s13], $0x3000, $0x38;
	[tilespmem:$0x1FD00] =	vst v63  }
0x67: {  	_ =	swait.ge [sflag:s3], $0x3000  }
0x68: {  	[sflag:s3] =	ssyncset.done $0x0  }
0x69: {  	s23 =	simm.s32 $0x0;
	[sflag:s3] =	ssyncadd.s32 $0xFFFFD000  }
0x6a: {  	[spmem:s1] =	stream.indirect.scatter.add.f32 [tilespmem:s28], [sflag:$0x6], $0x80, s23, s31, $0xb8;
	[tilespmem:$0x1FD00] =	vst v63  }
0x6b: {  	_ =	swait.ge [sflag:s29], $0x3000  }
0x6c: {  	[sflag:s29] =	ssyncset.done $0x0  }
0x6d: {  	s10 =	sadd.s32 $0xFFFFF400, s11;
	[sflag:s29] =	ssyncadd.s32 $0xFFFFD000  }
0x6e: {  	[tilespmem:s28], [sflag:$0x3] =	stream.linear.gather [hbm4b:s10+s2], $0x3000, $0x38;
	[tilespmem:$0x1FD00] =	vst v63  }
0x6f: {  	_ =	swait.ge [sflag:s4], $0x3000  }
0x70: {  	[sflag:s4] =	ssyncset.done $0x0  }
0x71: {  	s12 =	simm.s32 $0x80;
	[sflag:s4] =	ssyncadd.s32 $0xFFFFD000  }
0x72: {  	[spmem:s1] =	stream.indirect.scatter.add.f32 [tilespmem:s25], [sflag:$0x6], $0x80, s12, s31, $0xb8;
	[tilespmem:$0x1FD00] =	vst v63  }
0x73: {  	_ =	swait.ge [sflag:s29], $0x3000  }
0x74: {  	[sflag:s29] =	ssyncset.done $0x0  }
0x75: {  	s13 =	sadd.s32 $0xFFFFFA00, s11;
	[sflag:s29] =	ssyncadd.s32 $0xFFFFD000  }
0x76: {  	[tilespmem:s25], [sflag:$0x4] =	stream.linear.gather [hbm4b:s13+s2], $0x3000, $0x38;
	[tilespmem:$0x1FD00] =	vst v63  }
0x77: {  	_ =	swait.ge [sflag:s5], $0x3000  }
0x78: {  	[sflag:s5] =	ssyncset.done $0x0  }
0x79: {  	s23 =	simm.s32 $0x100;
	[sflag:s5] =	ssyncadd.s32 $0xFFFFD000  }
0x7a: {  	[spmem:s1] =	stream.indirect.scatter.add.f32 [tilespmem:s26], [sflag:$0x6], $0x80, s23, s31, $0xb8;
	[tilespmem:$0x1FD00] =	vst v63  }
0x7b: {  	_ =	swait.ge [sflag:s29], $0x3000  }
0x7c: {  	s8 =	simm.s32 $0x600;
	[sflag:s29] =	ssyncset.done $0x0  }
0x7d: {  	s10 =	sadd.s32 $0x1200, s11;
	s23 =	smov.u32 s11;
	[sflag:s29] =	ssyncadd.s32 $0xFFFFD000  }
.LBB2_4:
0x7e: {  	[tilespmem:s26], [sflag:$0x5] =	stream.linear.gather [hbm4b:s23+s2], $0x3000, $0x38;
	[tilespmem:$0x1FD00] =	vst v63  }
0x7f: {  	s12 =	smov.u32 s8;
	s23 =	smov.u32 s10  }
0x80: {  	p1 =	sne.s32 s8, $0xC000;
	s8 =	sadd.s32 $0x600, s8;
	_ =	swait.ge [sflag:s3], $0x3000  }
0x81: {  	[sflag:s3] =	ssyncset.done $0x0  }
0x82: {  	s12 =	sshra.s32 s12, $0x2;
	[sflag:s3] =	ssyncadd.s32 $0xFFFFD000  }
0x83: {  	[spmem:s1] =	stream.indirect.scatter.add.f32 [tilespmem:s28], [sflag:$0x6], $0x80, s12, s31, $0xb8;
	[tilespmem:$0x1FD00] =	vst v63  }
0x84: {  	_ =	swait.ge [sflag:s29], $0x3000  }
0x85: {  	[sflag:s29] =	ssyncset.done $0x0  }
0x86: {  	s13 =	sadd.s32 $0xFFFFF400, s10;
	[sflag:s29] =	ssyncadd.s32 $0xFFFFD000  }
0x87: {  	[tilespmem:s28], [sflag:$0x3] =	stream.linear.gather [hbm4b:s13+s2], $0x3000, $0x38;
	[tilespmem:$0x1FD00] =	vst v63  }
0x88: {  	_ =	swait.ge [sflag:s4], $0x3000  }
0x89: {  	[sflag:s4] =	ssyncset.done $0x0  }
0x8a: {  	s13 =	sadd.s32 $0x80, s12;
	[sflag:s4] =	ssyncadd.s32 $0xFFFFD000  }
0x8b: {  	[spmem:s1] =	stream.indirect.scatter.add.f32 [tilespmem:s25], [sflag:$0x6], $0x80, s13, s31, $0xb8;
	[tilespmem:$0x1FD00] =	vst v63  }
0x8c: {  	_ =	swait.ge [sflag:s29], $0x3000  }
0x8d: {  	[sflag:s29] =	ssyncset.done $0x0  }
0x8e: {  	s13 =	sadd.s32 $0xFFFFFA00, s10;
	[sflag:s29] =	ssyncadd.s32 $0xFFFFD000  }
0x8f: {  	[tilespmem:s25], [sflag:$0x4] =	stream.linear.gather [hbm4b:s13+s2], $0x3000, $0x38;
	[tilespmem:$0x1FD00] =	vst v63  }
0x90: {  	_ =	swait.ge [sflag:s5], $0x3000  }
0x91: {  	[sflag:s5] =	ssyncset.done $0x0  }
.Ltmp1:
0x92: {  	s12 =	sadd.s32 $0x100, s12;
	[sflag:s5] =	ssyncadd.s32 $0xFFFFD000;
	(pc) =	sbr.rel @p1 .LBB2_4-.Ltmp1, $4  }
0x93: {  	[spmem:s1] =	stream.indirect.scatter.add.f32 [tilespmem:s26], [sflag:$0x6], $0x80, s12, s31, $0xb8;
	[tilespmem:$0x1FD00] =	vst v63  }
0x94: {  	_ =	swait.ge [sflag:s29], $0x3000  }
0x95: {  	[sflag:s29] =	ssyncset.done $0x0  }
0x96: {  	s10 =	sadd.s32 $0x1200, s10;
	[sflag:s29] =	ssyncadd.s32 $0xFFFFD000  }
0x97: {  	[tilespmem:s26], [sflag:$0x5] =	stream.linear.gather [hbm4b:s23+s2], $0x3000, $0x38;
	[tilespmem:$0x1FD00] =	vst v63  }
0x98: {  	_ =	swait.ge [sflag:s3], $0x3000  }
0x99: {  	[sflag:s3] =	ssyncset.done $0x0  }
0x9a: {  	s8 =	simm.s32 $0x3180;
	[sflag:s3] =	ssyncadd.s32 $0xFFFFD000  }
0x9b: {  	[spmem:s1] =	stream.indirect.scatter.add.f32 [tilespmem:s28], [sflag:$0x6], $0x80, s8, s31, $0xb8;
	[tilespmem:$0x1FD00] =	vst v63  }
0x9c: {  	_ =	swait.ge [sflag:s29], $0x3000  }
0x9d: {  	[sflag:s29] =	ssyncset.done $0x0  }
0x9e: {  	[sflag:s29] =	ssyncadd.s32 $0xFFFFD000  }
0x9f: {  	[tilespmem:s28], [sflag:$0x3] =	stream.linear.gather [hbm4b:s21+s2], $0x3000, $0x38;
	[tilespmem:$0x1FD00] =	vst v63  }
0xa0: {  	_ =	swait.ge [sflag:s4], $0x3000  }
0xa1: {  	[sflag:s4] =	ssyncset.done $0x0  }
0xa2: {  	s23 =	simm.s32 $0x3200;
	[sflag:s4] =	ssyncadd.s32 $0xFFFFD000  }
0xa3: {  	[spmem:s1] =	stream.indirect.scatter.add.f32 [tilespmem:s25], [sflag:$0x6], $0x80, s23, s31, $0xb8;
	[tilespmem:$0x1FD00] =	vst v63  }
0xa4: {  	_ =	swait.ge [sflag:s29], $0x3000  }
0xa5: {  	[sflag:s29] =	ssyncset.done $0x0  }
0xa6: {  	[sflag:s29] =	ssyncadd.s32 $0xFFFFD000  }
0xa7: {  	[tilespmem:s25], [sflag:$0x4] =	stream.linear.gather [hbm4b:s22+s2], $0x3000, $0x38;
	[tilespmem:$0x1FD00] =	vst v63  }
0xa8: {  	_ =	swait.ge [sflag:s5], $0x3000  }
0xa9: {  	[sflag:s5] =	ssyncset.done $0x0  }
0xaa: {  	s10 =	simm.s32 $0x3280;
	[sflag:s5] =	ssyncadd.s32 $0xFFFFD000  }
0xab: {  	[spmem:s1] =	stream.indirect.scatter.add.f32 [tilespmem:s26], [sflag:$0x6], $0x80, s10, s31, $0xb8;
	[tilespmem:$0x1FD00] =	vst v63  }
0xac: {  	_ =	swait.ge [sflag:s29], $0x3000  }
0xad: {  	[sflag:s29] =	ssyncset.done $0x0  }
0xae: {  	[sflag:s29] =	ssyncadd.s32 $0xFFFFD000  }
0xaf: {  	_ =	swait.ge [sflag:s3], $0x3000  }
0xb0: {  	[sflag:s3] =	ssyncset.done $0x0  }
0xb1: {  	s12 =	simm.s32 $0x3300;
	[sflag:s3] =	ssyncadd.s32 $0xFFFFD000  }
0xb2: {  	[spmem:s1] =	stream.indirect.scatter.add.f32 [tilespmem:s28], [sflag:$0x6], $0x80, s12, s31, $0xb8;
	[tilespmem:$0x1FD00] =	vst v63  }
0xb3: {  	_ =	swait.ge [sflag:s29], $0x3000  }
0xb4: {  	[sflag:s29] =	ssyncset.done $0x0  }
0xb5: {  	[sflag:s29] =	ssyncadd.s32 $0xFFFFD000  }
0xb6: {  	_ =	swait.ge [sflag:s4], $0x3000  }
0xb7: {  	[sflag:s4] =	ssyncset.done $0x0  }
0xb8: {  	s13 =	simm.s32 $0x3380;
	[sflag:s4] =	ssyncadd.s32 $0xFFFFD000  }
0xb9: {  	[spmem:s1] =	stream.indirect.scatter.add.f32 [tilespmem:s25], [sflag:$0x6], $0x80, s13, s31, $0xb8;
	[tilespmem:$0x1FD00] =	vst v63  }
0xba: {  	_ =	swait.ge [sflag:s29], $0x3000  }
0xbb: {  	s23 =	stileid.u32;
	[sflag:s29] =	ssyncset.done $0x0  }
0xbc: {  	s8 =	sshll.u32 s23, $0x6;
	[sflag:s29] =	ssyncadd.s32 $0xFFFFD000  }
0xbd: {  	s8 =	sor.u32 $0x1C06, s8;
	s10 =	sshrl.u32 s9, $0x3;
	[bflag:$0x0] =	sbarrier.arrive $0xFFFF  }
0xbe: {  	[hbm:s18], [sflag:s8] =	dma.local [spmem:s10], $0x2700  }
0xbf: {  	_ =	swait.ge [sflag:s29], $0x2700  }
0xc0: {  	s7 =	sadd.s32 $0x1, s7;
	[sflag:s29] =	ssyncset.done $0x0  }
0xc1: {  	p1 =	sne.s32 s7, s20;
	s10 =	sshrl.u32 @!p0 s16, $0x3;
	[sflag:s29] =	ssyncadd.s32 $0xFFFFD900  }
0xc2: {  	[hbm:s19], [sflag:s8] =	dma.local @!p0 [spmem:s10], $0x100  }
.Ltmp2:
0xc3: {  	_ = 	snop;
	(pc) =	sbr.rel @p1 .LBB2_1-.Ltmp2, $4  }
0xc4: {  	s8 =	simm.s32 @!p0 $0x6  }
0xc5: {  	_ =	swait.ge @!p0 [sflag:s8], $0x100  }
0xc6: {  	[sflag:s8] =	ssyncset.done @!p0 $0x0  }
0xc7: {  	[sflag:s8] =	ssyncadd.s32 @!p0 $0xFFFFFF00  }
0xc8: {  	_ =	sfence.sel $0x180000  }
0xc9: {  	[bflag:$0x0] =	sbarrier.arrive $0xFFFF  }
0xca: {  	_ =	strace $0x90000047  }
0xcb: {  	[bflag:$0x2] =	sbarrier.arrive $0xFFFF  }
0xcc: {  	s0 =	rddreg [dreg:$0x4]  }
0xcd: {  	s0 =	sadd.s32 @!p0 $0x100000, s0  }
0xce: {  	[sflag:s0] =	ssyncadd.tile.s32 @!p0 $0x1;
	_ =	shalt  }
.Lfunc_end2:
_tile_overlayer_lowered:
.L_overlay_start_2:
0xcf: {  	(tag) =	ssettag $0x2  }
0xd0: {  	s0 =	rddreg [dreg:$0x0];
	s2 =	stileid.u32  }
0xd1: {  	s1 =	rddreg [dreg:$0x1];
	p0 =	sne.s32 s2, $0x0  }
0xd2: {  	s3 =	rddreg [dreg:$0x2];
	[bflag:$0x3] =	sbarrier.arrive $0xFFFF;
	s2 =	simm.s32 @!p0 $0x1C06  }
0xd3: {  	[timem:s3], [sflag:s2] =	dma.local @!p0 [hbm:s0], s1  }
0xd4: {  	s0 =	simm.s32 @!p0 $0x6  }
0xd5: {  	_ =	swait.ge @!p0 [sflag:s0], s1  }
0xd6: {  	s1 =	ssub.s32 @!p0 $0x0, s1;
	[sflag:s0] =	ssyncset.done @!p0 $0x0  }
0xd7: {  	[sflag:s0] =	ssyncadd.s32 @!p0 s1  }
0xd8: {  	[bflag:$0x3] =	sbarrier.arrive $0xFFFF  }
0xd9: {  	_ =	shalt  }

</sc_bundles>
